<compile_context>
chip_gen: v7x
topology: tpu7x:2x2x1
jax: 0.10.2.dev20260603
libtpu: 0.0.44.dev20260713+nightly
codegen_flags: <defaults>
</compile_context>

<pallas_src>
import jax
import jax.numpy as jnp
from jax import lax
from jax.experimental import pallas as pl
from jax.experimental.pallas import tpu as pltpu
from jax.experimental.pallas import tpu_sc as plsc

N = 10000
E = 320000
D = 128
H = 64
B = 64


_NQ = 10240
_E2 = 320512


def _prep_body(x_ref, bidx_ref, mc_ref, dist_ref, edge_ref, we1t_ref,
               be1_ref, we2t_ref, be2_ref, wc1t_ref, bc1_ref, wc2t_ref,
               bc2_ref, q_ref, eg_ref, rdist_ref, src_ref, dst_ref):
    rdist_ref[...] = jnp.concatenate(
        [1.0 / dist_ref[...], jnp.zeros((1, _E2 - E), jnp.float32)], axis=1)
    src_ref[...] = edge_ref[:, 0, :]
    dst_ref[...] = edge_ref[:, 1, :]
    x = x_ref[...]
    w1t = jnp.concatenate([we1t_ref[...], wc1t_ref[...]], axis=0)
    b1 = jnp.concatenate([be1_ref[...], bc1_ref[...]], axis=1)
    h = jax.nn.silu(
        lax.dot_general(x, w1t, (((1,), (1,)), ((), ())),
                        preferred_element_type=jnp.float32) + b1)
    zh = jnp.zeros((1, H), jnp.float32)
    w2t = jnp.concatenate(
        [jnp.concatenate([we2t_ref[...], zh], axis=1),
         jnp.concatenate([zh, wc2t_ref[...]], axis=1)], axis=0)
    b2 = jnp.concatenate(
        [be2_ref[...], bc2_ref[...]], axis=1).reshape(2, 1)
    ect = lax.dot_general(w2t, h, (((1,), (1,)), ((), ())),
                          preferred_element_type=jnp.float32) + b2
    e_atom_t = ect[0:1, :]
    c_t = ect[1:2, :]
    K = jnp.max(c_t, axis=1, keepdims=True)
    p_t = jnp.exp(c_t - K)
    pe_t = jnp.concatenate([e_atom_t, p_t], axis=0)
    onehot_t = jnp.where(
        bidx_ref[...] == lax.broadcasted_iota(jnp.int32, (B, N), 0),
        jnp.float32(1.0), jnp.float32(0.0))
    ze = lax.dot_general(pe_t, onehot_t, (((1,), (1,)), ((), ())),
                         preferred_element_type=jnp.float32)
    z_row = ze[1:2, :]
    f_row = mc_ref[...] / (z_row + 1e-16) * jnp.float32(0.7071067811865476)
    fn_t = jnp.dot(f_row, onehot_t, preferred_element_type=jnp.float32)
    q_ref[...] = jnp.concatenate(
        [p_t * fn_t, jnp.zeros((1, _NQ - N), jnp.float32)], axis=1)
    eg_ref[...] = ze[0:1, :]


_prep_call = pl.pallas_call(
    _prep_body,
    out_shape=(jax.ShapeDtypeStruct((1, _NQ), jnp.float32),
               jax.ShapeDtypeStruct((1, B), jnp.float32),
               jax.ShapeDtypeStruct((1, _E2), jnp.float32),
               jax.ShapeDtypeStruct((E // D, D), jnp.int32),
               jax.ShapeDtypeStruct((E // D, D), jnp.int32)),
)


_SC_INFO = plsc.get_sparse_core_info()
_NS = _SC_INFO.num_subcores
_L = _SC_INFO.num_lanes
_NW = _NS
_EW = E // _NW
_STEPS = _EW // _L


def _edge_body(q_hbm, b_hbm, src_hbm, dst_hbm, dist_hbm, eg_hbm, out_hbm,
               q_v, b_v, src_v, dst_v, dist_v, bins_v, red_v, gather_v,
               eg_v, shared, sem0, sem1, sem2, sem3, sem4):
    sid = lax.axis_index("s")
    base = sid * _EW

    c0 = pltpu.async_copy(q_hbm.at[pl.ds(0, N)], q_v, sem0)
    c1 = pltpu.async_copy(b_hbm, b_v, sem1)
    c2 = pltpu.async_copy(src_hbm.at[pl.ds(base, _EW)], src_v, sem2)
    c3 = pltpu.async_copy(dst_hbm.at[pl.ds(base, _EW)], dst_v, sem3)
    c4 = pltpu.async_copy(dist_hbm.at[pl.ds(base, _EW)], dist_v, sem4)

    zero = jnp.zeros((_L,), jnp.float32)
    for i in range(_L * B // _L):
        bins_v[pl.ds(i * _L, _L)] = zero

    c0.wait()
    c1.wait()
    c2.wait()
    c3.wait()
    c4.wait()

    lane = lax.iota(jnp.int32, _L) * B

    @plsc.parallel_loop(0, _STEPS, unroll=10)
    def _step(i):
        off = i * _L
        s = src_v[pl.ds(off, _L)]
        d = dst_v[pl.ds(off, _L)]
        w = dist_v[pl.ds(off, _L)]
        qs = plsc.load_gather(q_v, [s])
        qd = plsc.load_gather(q_v, [d])
        g = plsc.load_gather(b_v, [s])
        val = (qs * qd) * w
        plsc.addupdate_scatter(bins_v, [lane + g], val)

    for j in range(B // _L):
        acc = bins_v[pl.ds(j * _L, _L)]
        for l in range(1, _L):
            acc = acc + bins_v[pl.ds(l * B + j * _L, _L)]
        red_v[pl.ds(j * _L, _L)] = acc

    pltpu.sync_copy(red_v, shared.at[sid])
    plsc.subcore_barrier()

    @pl.when(sid == 0)
    def _():
        pltpu.sync_copy(shared, gather_v)
        pltpu.sync_copy(eg_hbm, eg_v)
        for j in range(B // _L):
            acc = eg_v[pl.ds(j * _L, _L)]
            for l in range(_NS):
                acc = acc + gather_v[l, pl.ds(j * _L, _L)]
            red_v[pl.ds(j * _L, _L)] = acc
        pltpu.sync_copy(red_v, out_hbm)


_edge_call = pl.kernel(
    _edge_body,
    out_type=jax.ShapeDtypeStruct((B,), jnp.float32),
    mesh=plsc.VectorSubcoreMesh(core_axis_name="c", subcore_axis_name="s",
                                num_cores=1),
    compiler_params=pltpu.CompilerParams(needs_layout_passes=False),
    scratch_types=[
        pltpu.VMEM((N,), jnp.float32),
        pltpu.VMEM((N,), jnp.int32),
        pltpu.VMEM((_EW,), jnp.int32),
        pltpu.VMEM((_EW,), jnp.int32),
        pltpu.VMEM((_EW,), jnp.float32),
        pltpu.VMEM((_L * B,), jnp.float32),
        pltpu.VMEM((B,), jnp.float32),
        pltpu.VMEM((_NS, B), jnp.float32),
        pltpu.VMEM((B,), jnp.float32),
        pltpu.VMEM_SHARED((_NS, B), jnp.float32),
        pltpu.SemaphoreType.DMA,
        pltpu.SemaphoreType.DMA,
        pltpu.SemaphoreType.DMA,
        pltpu.SemaphoreType.DMA,
        pltpu.SemaphoreType.DMA,
    ],
)


def kernel(x_scalar, edge_index, dist, mol_charge, batch_index,
           We1, be1, We2, be2, Wc1, bc1, Wc2, bc2):
    q, eg, rdist, src, dst = _prep_call(
        x_scalar, batch_index.reshape(1, N), mol_charge.reshape(1, B),
        dist.reshape(1, E),
        edge_index.reshape(2, E // D, D).transpose(1, 0, 2),
        We1.T, be1.reshape(1, H), We2.T, be2.reshape(1, 1),
        Wc1.T, bc1.reshape(1, H), Wc2.T, bc2.reshape(1, 1))
    res = _edge_call(
        q.reshape(_NQ), batch_index, src.reshape(E), dst.reshape(E),
        rdist.reshape(_E2), eg.reshape(B))
    return res.reshape(B, 1)

# --- scband reference (transcript-rebuilt; emitter-appended) ---
"""Pipeline reference for scband-coulomb-out-13185549598890 (READ-ONLY COPY).

The authoritative reference and input builder live on the scoring server;
editing this copy changes nothing except your own understanding.
"""

import jax, jax.numpy as jnp
import numpy as np

N = 10000
E = 320000
D = 128
H = 64
B = 64


def setup_inputs(seed: int = 0) -> dict:
    key = jax.random.key(seed)
    ks = jax.random.split(key, 12)
    x_scalar = jax.random.normal(ks[0], (N, D), dtype=jnp.float32)
    edge_index = jax.random.randint(ks[1], (2, E), 0, N, dtype=jnp.int32)
    # distances: positive, bounded away from zero (rand fill)
    dist = jax.random.uniform(ks[2], (E, 1), minval=0.5, maxval=3.0, dtype=jnp.float32)
    mol_charge = jax.random.normal(ks[3], (B, 1), dtype=jnp.float32)
    batch_index = jnp.sort(jax.random.randint(ks[4], (N,), 0, B, dtype=jnp.int32))
    # energy MLP params (biases zero-initialized per module)
    We1 = jax.random.normal(ks[5], (D, H), dtype=jnp.float32) * (1.0 / np.sqrt(D))
    be1 = jnp.zeros((H,), dtype=jnp.float32)
    We2 = jax.random.normal(ks[6], (H, 1), dtype=jnp.float32) * (1.0 / np.sqrt(H))
    be2 = jnp.zeros((1,), dtype=jnp.float32)
    # charge MLP params
    Wc1 = jax.random.normal(ks[7], (D, H), dtype=jnp.float32) * (1.0 / np.sqrt(D))
    bc1 = jnp.zeros((H,), dtype=jnp.float32)
    Wc2 = jax.random.normal(ks[8], (H, 1), dtype=jnp.float32) * (1.0 / np.sqrt(H))
    bc2 = jnp.zeros((1,), dtype=jnp.float32)
    return {
        'x_scalar': x_scalar, 'edge_index': edge_index, 'dist': dist,
        'mol_charge': mol_charge, 'batch_index': batch_index,
        'We1': We1, 'be1': be1, 'We2': We2, 'be2': be2,
        'Wc1': Wc1, 'bc1': bc1, 'Wc2': Wc2, 'bc2': bc2,
    }


def reference(x_scalar, edge_index, dist, mol_charge, batch_index,
              We1, be1, We2, be2, Wc1, bc1, Wc2, bc2):
    node_bias = jnp.float32(0.0)
    graph_bias = jnp.float32(0.0)
    # energy_mlp: Linear -> SiLU -> Linear
    atom_energy_out = jax.nn.silu(x_scalar @ We1 + be1) @ We2 + be2  # [N,1]
    atom_energy_out = atom_energy_out + node_bias
    # charge_mlp
    c = jax.nn.silu(x_scalar @ Wc1 + bc1) @ Wc2 + bc2  # [N,1]
    # torch_geometric.utils.softmax over batch_index (numerically stable segment softmax)
    cmax = jax.ops.segment_max(c, batch_index, num_segments=B)  # [B,1]
    cexp = jnp.exp(c - cmax[batch_index])
    csum = jax.ops.segment_sum(cexp, batch_index, num_segments=B)
    soft = cexp / (csum[batch_index] + 1e-16)  # [N,1]
    atom_charge_out = soft * mol_charge[batch_index]  # [N,1]
    # Coulomb pairwise term over edges
    src = edge_index[0]
    dst = edge_index[1]
    coulomb = atom_charge_out[src] * atom_charge_out[dst] / dist  # [E,1]
    coulomb_out = jax.ops.segment_sum(0.5 * coulomb, src, num_segments=N)  # [N,1]
    res = jax.ops.segment_sum(coulomb_out + atom_energy_out, batch_index, num_segments=B)  # [B,1]
    return res + graph_bias

if __name__ == "__main__":
    import jax
    _d = setup_inputs()
    print(jax.jit(kernel)(*tuple(_d.values())))

</pallas_src>

<mosaic_0001>
#map = affine_map<(d0, d1) -> (0)>
module attributes {stable_mosaic.version = 14 : i64} {
  func.func @_edge_body(%arg0: i32, %arg1: i32, %arg2: memref<10240xf32, #tpu.memory_space<hbm>>, %arg3: memref<10000xi32, #tpu.memory_space<hbm>>, %arg4: memref<320000xi32, #tpu.memory_space<hbm>>, %arg5: memref<320000xi32, #tpu.memory_space<hbm>>, %arg6: memref<320512xf32, #tpu.memory_space<hbm>>, %arg7: memref<64xf32, #tpu.memory_space<hbm>>, %arg8: memref<64xf32, #tpu.memory_space<hbm>>, %arg9: memref<10000xf32, #tpu.memory_space<vmem>>, %arg10: memref<10000xi32, #tpu.memory_space<vmem>>, %arg11: memref<20000xi32, #tpu.memory_space<vmem>>, %arg12: memref<20000xi32, #tpu.memory_space<vmem>>, %arg13: memref<20000xf32, #tpu.memory_space<vmem>>, %arg14: memref<1024xf32, #tpu.memory_space<vmem>>, %arg15: memref<64xf32, #tpu.memory_space<vmem>>, %arg16: memref<16x64xf32, #tpu.memory_space<vmem>>, %arg17: memref<64xf32, #tpu.memory_space<vmem>>, %arg18: memref<16x64xf32, #tpu.memory_space<vmem_shared>>, %arg19: memref<!tpu.dma_semaphore, #tpu.memory_space<semaphore_mem>>, %arg20: memref<!tpu.dma_semaphore, #tpu.memory_space<semaphore_mem>>, %arg21: memref<!tpu.dma_semaphore, #tpu.memory_space<semaphore_mem>>, %arg22: memref<!tpu.dma_semaphore, #tpu.memory_space<semaphore_mem>>, %arg23: memref<!tpu.dma_semaphore, #tpu.memory_space<semaphore_mem>>) attributes {dimension_semantics = [#tpu.dimension_semantics<core_parallel>, #tpu.dimension_semantics<subcore_parallel>], iteration_bounds = array<i64: 1, 16>, scalar_prefetch = 0 : i64, scratch_operands = 15 : i64, tpu.core_type = #tpu.core_type<sc_vector_subcore>, window_params = [{transform_indices = #map}, {transform_indices = #map}, {transform_indices = #map}, {transform_indices = #map}, {transform_indices = #map}, {transform_indices = #map}, {transform_indices = #map}]} {
    %mul3A = arith.constant 20000 : i32
    %mul3A_0 = arith.muli %arg1, %mul3A : i32
    %dma_start3A = arith.constant 0 : i32
    %dma_start3A_1 = tpu.memref_slice %arg2[%dma_start3A] : memref<10240xf32, #tpu.memory_space<hbm>> -> memref<10000xf32, #tpu.memory_space<hbm>>
    %dma_start3A_2 = arith.constant 0 : i32
    %dma_start3A_3 = tpu.memref_slice %arg2[%dma_start3A_2] : memref<10240xf32, #tpu.memory_space<hbm>> -> memref<10000xf32, #tpu.memory_space<hbm>>
    tpu.enqueue_dma source(%dma_start3A_3 : memref<10000xf32, #tpu.memory_space<hbm>>) target(%arg9 : memref<10000xf32, #tpu.memory_space<vmem>>) target_semaphore(%arg19 : memref<!tpu.dma_semaphore, #tpu.memory_space<semaphore_mem>>)
    tpu.enqueue_dma source(%arg3 : memref<10000xi32, #tpu.memory_space<hbm>>) target(%arg10 : memref<10000xi32, #tpu.memory_space<vmem>>) target_semaphore(%arg20 : memref<!tpu.dma_semaphore, #tpu.memory_space<semaphore_mem>>)
    %dma_start3A_4 = tpu.memref_slice %arg4[%mul3A_0] : memref<320000xi32, #tpu.memory_space<hbm>> -> memref<20000xi32, #tpu.memory_space<hbm>>
    %dma_start3A_5 = tpu.memref_slice %arg4[%mul3A_0] : memref<320000xi32, #tpu.memory_space<hbm>> -> memref<20000xi32, #tpu.memory_space<hbm>>
    tpu.enqueue_dma source(%dma_start3A_5 : memref<20000xi32, #tpu.memory_space<hbm>>) target(%arg11 : memref<20000xi32, #tpu.memory_space<vmem>>) target_semaphore(%arg21 : memref<!tpu.dma_semaphore, #tpu.memory_space<semaphore_mem>>)
    %dma_start3A_6 = tpu.memref_slice %arg5[%mul3A_0] : memref<320000xi32, #tpu.memory_space<hbm>> -> memref<20000xi32, #tpu.memory_space<hbm>>
    %dma_start3A_7 = tpu.memref_slice %arg5[%mul3A_0] : memref<320000xi32, #tpu.memory_space<hbm>> -> memref<20000xi32, #tpu.memory_space<hbm>>
    tpu.enqueue_dma source(%dma_start3A_7 : memref<20000xi32, #tpu.memory_space<hbm>>) target(%arg12 : memref<20000xi32, #tpu.memory_space<vmem>>) target_semaphore(%arg22 : memref<!tpu.dma_semaphore, #tpu.memory_space<semaphore_mem>>)
    %dma_start3A_8 = tpu.memref_slice %arg6[%mul3A_0] : memref<320512xf32, #tpu.memory_space<hbm>> -> memref<20000xf32, #tpu.memory_space<hbm>>
    %dma_start3A_9 = tpu.memref_slice %arg6[%mul3A_0] : memref<320512xf32, #tpu.memory_space<hbm>> -> memref<20000xf32, #tpu.memory_space<hbm>>
    tpu.enqueue_dma source(%dma_start3A_9 : memref<20000xf32, #tpu.memory_space<hbm>>) target(%arg13 : memref<20000xf32, #tpu.memory_space<vmem>>) target_semaphore(%arg23 : memref<!tpu.dma_semaphore, #tpu.memory_space<semaphore_mem>>)
    %broadcast_in_dim3A = arith.constant 0.000000e+00 : f32
    %broadcast_in_dim3A_10 = vector.broadcast %broadcast_in_dim3A : f32 to vector<16xf32>
    %swap3A = arith.constant 0 : index
    %swap3A_11 = tpu.vector_load %arg14[%swap3A] {strides = array<i32>} : memref<1024xf32, #tpu.memory_space<vmem>>, vector<16xf32>,
    tpu.vector_store %arg14[%swap3A], %broadcast_in_dim3A_10 {strides = array<i32>} : memref<1024xf32, #tpu.memory_space<vmem>>, vector<16xf32>,
    %swap3A_12 = arith.constant 16 : index
    %swap3A_13 = tpu.vector_load %arg14[%swap3A_12] {strides = array<i32>} : memref<1024xf32, #tpu.memory_space<vmem>>, vector<16xf32>,
    tpu.vector_store %arg14[%swap3A_12], %broadcast_in_dim3A_10 {strides = array<i32>} : memref<1024xf32, #tpu.memory_space<vmem>>, vector<16xf32>,
    %swap3A_14 = arith.constant 32 : index
    %swap3A_15 = tpu.vector_load %arg14[%swap3A_14] {strides = array<i32>} : memref<1024xf32, #tpu.memory_space<vmem>>, vector<16xf32>,
    tpu.vector_store %arg14[%swap3A_14], %broadcast_in_dim3A_10 {strides = array<i32>} : memref<1024xf32, #tpu.memory_space<vmem>>, vector<16xf32>,
    %swap3A_16 = arith.constant 48 : index
    %swap3A_17 = tpu.vector_load %arg14[%swap3A_16] {strides = array<i32>} : memref<1024xf32, #tpu.memory_space<vmem>>, vector<16xf32>,
    tpu.vector_store %arg14[%swap3A_16], %broadcast_in_dim3A_10 {strides = array<i32>} : memref<1024xf32, #tpu.memory_space<vmem>>, vector<16xf32>,
    %swap3A_18 = arith.constant 64 : index
    %swap3A_19 = tpu.vector_load %arg14[%swap3A_18] {strides = array<i32>} : memref<1024xf32, #tpu.memory_space<vmem>>, vector<16xf32>,
    tpu.vector_store %arg14[%swap3A_18], %broadcast_in_dim3A_10 {strides = array<i32>} : memref<1024xf32, #tpu.memory_space<vmem>>, vector<16xf32>,
    %swap3A_20 = arith.constant 80 : index
    %swap3A_21 = tpu.vector_load %arg14[%swap3A_20] {strides = array<i32>} : memref<1024xf32, #tpu.memory_space<vmem>>, vector<16xf32>,
    tpu.vector_store %arg14[%swap3A_20], %broadcast_in_dim3A_10 {strides = array<i32>} : memref<1024xf32, #tpu.memory_space<vmem>>, vector<16xf32>,
    %swap3A_22 = arith.constant 96 : index
    %swap3A_23 = tpu.vector_load %arg14[%swap3A_22] {strides = array<i32>} : memref<1024xf32, #tpu.memory_space<vmem>>, vector<16xf32>,
    tpu.vector_store %arg14[%swap3A_22], %broadcast_in_dim3A_10 {strides = array<i32>} : memref<1024xf32, #tpu.memory_space<vmem>>, vector<16xf32>,
    %swap3A_24 = arith.constant 112 : index
    %swap3A_25 = tpu.vector_load %arg14[%swap3A_24] {strides = array<i32>} : memref<1024xf32, #tpu.memory_space<vmem>>, vector<16xf32>,
    tpu.vector_store %arg14[%swap3A_24], %broadcast_in_dim3A_10 {strides = array<i32>} : memref<1024xf32, #tpu.memory_space<vmem>>, vector<16xf32>,
    %swap3A_26 = arith.constant 128 : index
    %swap3A_27 = tpu.vector_load %arg14[%swap3A_26] {strides = array<i32>} : memref<1024xf32, #tpu.memory_space<vmem>>, vector<16xf32>,
    tpu.vector_store %arg14[%swap3A_26], %broadcast_in_dim3A_10 {strides = array<i32>} : memref<1024xf32, #tpu.memory_space<vmem>>, vector<16xf32>,
    %swap3A_28 = arith.constant 144 : index
    %swap3A_29 = tpu.vector_load %arg14[%swap3A_28] {strides = array<i32>} : memref<1024xf32, #tpu.memory_space<vmem>>, vector<16xf32>,
    tpu.vector_store %arg14[%swap3A_28], %broadcast_in_dim3A_10 {strides = array<i32>} : memref<1024xf32, #tpu.memory_space<vmem>>, vector<16xf32>,
    %swap3A_30 = arith.constant 160 : index
    %swap3A_31 = tpu.vector_load %arg14[%swap3A_30] {strides = array<i32>} : memref<1024xf32, #tpu.memory_space<vmem>>, vector<16xf32>,
    tpu.vector_store %arg14[%swap3A_30], %broadcast_in_dim3A_10 {strides = array<i32>} : memref<1024xf32, #tpu.memory_space<vmem>>, vector<16xf32>,
    %swap3A_32 = arith.constant 176 : index
    %swap3A_33 = tpu.vector_load %arg14[%swap3A_32] {strides = array<i32>} : memref<1024xf32, #tpu.memory_space<vmem>>, vector<16xf32>,
    tpu.vector_store %arg14[%swap3A_32], %broadcast_in_dim3A_10 {strides = array<i32>} : memref<1024xf32, #tpu.memory_space<vmem>>, vector<16xf32>,
    %swap3A_34 = arith.constant 192 : index
    %swap3A_35 = tpu.vector_load %arg14[%swap3A_34] {strides = array<i32>} : memref<1024xf32, #tpu.memory_space<vmem>>, vector<16xf32>,
    tpu.vector_store %arg14[%swap3A_34], %broadcast_in_dim3A_10 {strides = array<i32>} : memref<1024xf32, #tpu.memory_space<vmem>>, vector<16xf32>,
    %swap3A_36 = arith.constant 208 : index
    %swap3A_37 = tpu.vector_load %arg14[%swap3A_36] {strides = array<i32>} : memref<1024xf32, #tpu.memory_space<vmem>>, vector<16xf32>,
    tpu.vector_store %arg14[%swap3A_36], %broadcast_in_dim3A_10 {strides = array<i32>} : memref<1024xf32, #tpu.memory_space<vmem>>, vector<16xf32>,
    %swap3A_38 = arith.constant 224 : index
    %swap3A_39 = tpu.vector_load %arg14[%swap3A_38] {strides = array<i32>} : memref<1024xf32, #tpu.memory_space<vmem>>, vector<16xf32>,
    tpu.vector_store %arg14[%swap3A_38], %broadcast_in_dim3A_10 {strides = array<i32>} : memref<1024xf32, #tpu.memory_space<vmem>>, vector<16xf32>,
    %swap3A_40 = arith.constant 240 : index
    %swap3A_41 = tpu.vector_load %arg14[%swap3A_40] {strides = array<i32>} : memref<1024xf32, #tpu.memory_space<vmem>>, vector<16xf32>,
    tpu.vector_store %arg14[%swap3A_40], %broadcast_in_dim3A_10 {strides = array<i32>} : memref<1024xf32, #tpu.memory_space<vmem>>, vector<16xf32>,
    %swap3A_42 = arith.constant 256 : index
    %swap3A_43 = tpu.vector_load %arg14[%swap3A_42] {strides = array<i32>} : memref<1024xf32, #tpu.memory_space<vmem>>, vector<16xf32>,
    tpu.vector_store %arg14[%swap3A_42], %broadcast_in_dim3A_10 {strides = array<i32>} : memref<1024xf32, #tpu.memory_space<vmem>>, vector<16xf32>,
    %swap3A_44 = arith.constant 272 : index
    %swap3A_45 = tpu.vector_load %arg14[%swap3A_44] {strides = array<i32>} : memref<1024xf32, #tpu.memory_space<vmem>>, vector<16xf32>,
    tpu.vector_store %arg14[%swap3A_44], %broadcast_in_dim3A_10 {strides = array<i32>} : memref<1024xf32, #tpu.memory_space<vmem>>, vector<16xf32>,
    %swap3A_46 = arith.constant 288 : index
    %swap3A_47 = tpu.vector_load %arg14[%swap3A_46] {strides = array<i32>} : memref<1024xf32, #tpu.memory_space<vmem>>, vector<16xf32>,
    tpu.vector_store %arg14[%swap3A_46], %broadcast_in_dim3A_10 {strides = array<i32>} : memref<1024xf32, #tpu.memory_space<vmem>>, vector<16xf32>,
    %swap3A_48 = arith.constant 304 : index
    %swap3A_49 = tpu.vector_load %arg14[%swap3A_48] {strides = array<i32>} : memref<1024xf32, #tpu.memory_space<vmem>>, vector<16xf32>,
    tpu.vector_store %arg14[%swap3A_48], %broadcast_in_dim3A_10 {strides = array<i32>} : memref<1024xf32, #tpu.memory_space<vmem>>, vector<16xf32>,
    %swap3A_50 = arith.constant 320 : index
    %swap3A_51 = tpu.vector_load %arg14[%swap3A_50] {strides = array<i32>} : memref<1024xf32, #tpu.memory_space<vmem>>, vector<16xf32>,
    tpu.vector_store %arg14[%swap3A_50], %broadcast_in_dim3A_10 {strides = array<i32>} : memref<1024xf32, #tpu.memory_space<vmem>>, vector<16xf32>,
    %swap3A_52 = arith.constant 336 : index
    %swap3A_53 = tpu.vector_load %arg14[%swap3A_52] {strides = array<i32>} : memref<1024xf32, #tpu.memory_space<vmem>>, vector<16xf32>,
    tpu.vector_store %arg14[%swap3A_52], %broadcast_in_dim3A_10 {strides = array<i32>} : memref<1024xf32, #tpu.memory_space<vmem>>, vector<16xf32>,
    %swap3A_54 = arith.constant 352 : index
    %swap3A_55 = tpu.vector_load %arg14[%swap3A_54] {strides = array<i32>} : memref<1024xf32, #tpu.memory_space<vmem>>, vector<16xf32>,
    tpu.vector_store %arg14[%swap3A_54], %broadcast_in_dim3A_10 {strides = array<i32>} : memref<1024xf32, #tpu.memory_space<vmem>>, vector<16xf32>,
    %swap3A_56 = arith.constant 368 : index
    %swap3A_57 = tpu.vector_load %arg14[%swap3A_56] {strides = array<i32>} : memref<1024xf32, #tpu.memory_space<vmem>>, vector<16xf32>,
    tpu.vector_store %arg14[%swap3A_56], %broadcast_in_dim3A_10 {strides = array<i32>} : memref<1024xf32, #tpu.memory_space<vmem>>, vector<16xf32>,
    %swap3A_58 = arith.constant 384 : index
    %swap3A_59 = tpu.vector_load %arg14[%swap3A_58] {strides = array<i32>} : memref<1024xf32, #tpu.memory_space<vmem>>, vector<16xf32>,
    tpu.vector_store %arg14[%swap3A_58], %broadcast_in_dim3A_10 {strides = array<i32>} : memref<1024xf32, #tpu.memory_space<vmem>>, vector<16xf32>,
    %swap3A_60 = arith.constant 400 : index
    %swap3A_61 = tpu.vector_load %arg14[%swap3A_60] {strides = array<i32>} : memref<1024xf32, #tpu.memory_space<vmem>>, vector<16xf32>,
    tpu.vector_store %arg14[%swap3A_60], %broadcast_in_dim3A_10 {strides = array<i32>} : memref<1024xf32, #tpu.memory_space<vmem>>, vector<16xf32>,
    %swap3A_62 = arith.constant 416 : index
    %swap3A_63 = tpu.vector_load %arg14[%swap3A_62] {strides = array<i32>} : memref<1024xf32, #tpu.memory_space<vmem>>, vector<16xf32>,
    tpu.vector_store %arg14[%swap3A_62], %broadcast_in_dim3A_10 {strides = array<i32>} : memref<1024xf32, #tpu.memory_space<vmem>>, vector<16xf32>,
    %swap3A_64 = arith.constant 432 : index
    %swap3A_65 = tpu.vector_load %arg14[%swap3A_64] {strides = array<i32>} : memref<1024xf32, #tpu.memory_space<vmem>>, vector<16xf32>,
    tpu.vector_store %arg14[%swap3A_64], %broadcast_in_dim3A_10 {strides = array<i32>} : memref<1024xf32, #tpu.memory_space<vmem>>, vector<16xf32>,
    %swap3A_66 = arith.constant 448 : index
    %swap3A_67 = tpu.vector_load %arg14[%swap3A_66] {strides = array<i32>} : memref<1024xf32, #tpu.memory_space<vmem>>, vector<16xf32>,
    tpu.vector_store %arg14[%swap3A_66], %broadcast_in_dim3A_10 {strides = array<i32>} : memref<1024xf32, #tpu.memory_space<vmem>>, vector<16xf32>,
    %swap3A_68 = arith.constant 464 : index
    %swap3A_69 = tpu.vector_load %arg14[%swap3A_68] {strides = array<i32>} : memref<1024xf32, #tpu.memory_space<vmem>>, vector<16xf32>,
    tpu.vector_store %arg14[%swap3A_68], %broadcast_in_dim3A_10 {strides = array<i32>} : memref<1024xf32, #tpu.memory_space<vmem>>, vector<16xf32>,
    %swap3A_70 = arith.constant 480 : index
    %swap3A_71 = tpu.vector_load %arg14[%swap3A_70] {strides = array<i32>} : memref<1024xf32, #tpu.memory_space<vmem>>, vector<16xf32>,
    tpu.vector_store %arg14[%swap3A_70], %broadcast_in_dim3A_10 {strides = array<i32>} : memref<1024xf32, #tpu.memory_space<vmem>>, vector<16xf32>,
    %swap3A_72 = arith.constant 496 : index
    %swap3A_73 = tpu.vector_load %arg14[%swap3A_72] {strides = array<i32>} : memref<1024xf32, #tpu.memory_space<vmem>>, vector<16xf32>,
    tpu.vector_store %arg14[%swap3A_72], %broadcast_in_dim3A_10 {strides = array<i32>} : memref<1024xf32, #tpu.memory_space<vmem>>, vector<16xf32>,
    %swap3A_74 = arith.constant 512 : index
    %swap3A_75 = tpu.vector_load %arg14[%swap3A_74] {strides = array<i32>} : memref<1024xf32, #tpu.memory_space<vmem>>, vector<16xf32>,
    tpu.vector_store %arg14[%swap3A_74], %broadcast_in_dim3A_10 {strides = array<i32>} : memref<1024xf32, #tpu.memory_space<vmem>>, vector<16xf32>,
    %swap3A_76 = arith.constant 528 : index
    %swap3A_77 = tpu.vector_load %arg14[%swap3A_76] {strides = array<i32>} : memref<1024xf32, #tpu.memory_space<vmem>>, vector<16xf32>,
    tpu.vector_store %arg14[%swap3A_76], %broadcast_in_dim3A_10 {strides = array<i32>} : memref<1024xf32, #tpu.memory_space<vmem>>, vector<16xf32>,
    %swap3A_78 = arith.constant 544 : index
    %swap3A_79 = tpu.vector_load %arg14[%swap3A_78] {strides = array<i32>} : memref<1024xf32, #tpu.memory_space<vmem>>, vector<16xf32>,
    tpu.vector_store %arg14[%swap3A_78], %broadcast_in_dim3A_10 {strides = array<i32>} : memref<1024xf32, #tpu.memory_space<vmem>>, vector<16xf32>,
    %swap3A_80 = arith.constant 560 : index
    %swap3A_81 = tpu.vector_load %arg14[%swap3A_80] {strides = array<i32>} : memref<1024xf32, #tpu.memory_space<vmem>>, vector<16xf32>,
    tpu.vector_store %arg14[%swap3A_80], %broadcast_in_dim3A_10 {strides = array<i32>} : memref<1024xf32, #tpu.memory_space<vmem>>, vector<16xf32>,
    %swap3A_82 = arith.constant 576 : index
    %swap3A_83 = tpu.vector_load %arg14[%swap3A_82] {strides = array<i32>} : memref<1024xf32, #tpu.memory_space<vmem>>, vector<16xf32>,
    tpu.vector_store %arg14[%swap3A_82], %broadcast_in_dim3A_10 {strides = array<i32>} : memref<1024xf32, #tpu.memory_space<vmem>>, vector<16xf32>,
    %swap3A_84 = arith.constant 592 : index
    %swap3A_85 = tpu.vector_load %arg14[%swap3A_84] {strides = array<i32>} : memref<1024xf32, #tpu.memory_space<vmem>>, vector<16xf32>,
    tpu.vector_store %arg14[%swap3A_84], %broadcast_in_dim3A_10 {strides = array<i32>} : memref<1024xf32, #tpu.memory_space<vmem>>, vector<16xf32>,
    %swap3A_86 = arith.constant 608 : index
    %swap3A_87 = tpu.vector_load %arg14[%swap3A_86] {strides = array<i32>} : memref<1024xf32, #tpu.memory_space<vmem>>, vector<16xf32>,
    tpu.vector_store %arg14[%swap3A_86], %broadcast_in_dim3A_10 {strides = array<i32>} : memref<1024xf32, #tpu.memory_space<vmem>>, vector<16xf32>,
    %swap3A_88 = arith.constant 624 : index
    %swap3A_89 = tpu.vector_load %arg14[%swap3A_88] {strides = array<i32>} : memref<1024xf32, #tpu.memory_space<vmem>>, vector<16xf32>,
    tpu.vector_store %arg14[%swap3A_88], %broadcast_in_dim3A_10 {strides = array<i32>} : memref<1024xf32, #tpu.memory_space<vmem>>, vector<16xf32>,
    %swap3A_90 = arith.constant 640 : index
    %swap3A_91 = tpu.vector_load %arg14[%swap3A_90] {strides = array<i32>} : memref<1024xf32, #tpu.memory_space<vmem>>, vector<16xf32>,
    tpu.vector_store %arg14[%swap3A_90], %broadcast_in_dim3A_10 {strides = array<i32>} : memref<1024xf32, #tpu.memory_space<vmem>>, vector<16xf32>,
    %swap3A_92 = arith.constant 656 : index
    %swap3A_93 = tpu.vector_load %arg14[%swap3A_92] {strides = array<i32>} : memref<1024xf32, #tpu.memory_space<vmem>>, vector<16xf32>,
    tpu.vector_store %arg14[%swap3A_92], %broadcast_in_dim3A_10 {strides = array<i32>} : memref<1024xf32, #tpu.memory_space<vmem>>, vector<16xf32>,
    %swap3A_94 = arith.constant 672 : index
    %swap3A_95 = tpu.vector_load %arg14[%swap3A_94] {strides = array<i32>} : memref<1024xf32, #tpu.memory_space<vmem>>, vector<16xf32>,
    tpu.vector_store %arg14[%swap3A_94], %broadcast_in_dim3A_10 {strides = array<i32>} : memref<1024xf32, #tpu.memory_space<vmem>>, vector<16xf32>,
    %swap3A_96 = arith.constant 688 : index
    %swap3A_97 = tpu.vector_load %arg14[%swap3A_96] {strides = array<i32>} : memref<1024xf32, #tpu.memory_space<vmem>>, vector<16xf32>,
    tpu.vector_store %arg14[%swap3A_96], %broadcast_in_dim3A_10 {strides = array<i32>} : memref<1024xf32, #tpu.memory_space<vmem>>, vector<16xf32>,
    %swap3A_98 = arith.constant 704 : index
    %swap3A_99 = tpu.vector_load %arg14[%swap3A_98] {strides = array<i32>} : memref<1024xf32, #tpu.memory_space<vmem>>, vector<16xf32>,
    tpu.vector_store %arg14[%swap3A_98], %broadcast_in_dim3A_10 {strides = array<i32>} : memref<1024xf32, #tpu.memory_space<vmem>>, vector<16xf32>,
    %swap3A_100 = arith.constant 720 : index
    %swap3A_101 = tpu.vector_load %arg14[%swap3A_100] {strides = array<i32>} : memref<1024xf32, #tpu.memory_space<vmem>>, vector<16xf32>,
    tpu.vector_store %arg14[%swap3A_100], %broadcast_in_dim3A_10 {strides = array<i32>} : memref<1024xf32, #tpu.memory_space<vmem>>, vector<16xf32>,
    %swap3A_102 = arith.constant 736 : index
    %swap3A_103 = tpu.vector_load %arg14[%swap3A_102] {strides = array<i32>} : memref<1024xf32, #tpu.memory_space<vmem>>, vector<16xf32>,
    tpu.vector_store %arg14[%swap3A_102], %broadcast_in_dim3A_10 {strides = array<i32>} : memref<1024xf32, #tpu.memory_space<vmem>>, vector<16xf32>,
    %swap3A_104 = arith.constant 752 : index
    %swap3A_105 = tpu.vector_load %arg14[%swap3A_104] {strides = array<i32>} : memref<1024xf32, #tpu.memory_space<vmem>>, vector<16xf32>,
    tpu.vector_store %arg14[%swap3A_104], %broadcast_in_dim3A_10 {strides = array<i32>} : memref<1024xf32, #tpu.memory_space<vmem>>, vector<16xf32>,
    %swap3A_106 = arith.constant 768 : index
    %swap3A_107 = tpu.vector_load %arg14[%swap3A_106] {strides = array<i32>} : memref<1024xf32, #tpu.memory_space<vmem>>, vector<16xf32>,
    tpu.vector_store %arg14[%swap3A_106], %broadcast_in_dim3A_10 {strides = array<i32>} : memref<1024xf32, #tpu.memory_space<vmem>>, vector<16xf32>,
    %swap3A_108 = arith.constant 784 : index
    %swap3A_109 = tpu.vector_load %arg14[%swap3A_108] {strides = array<i32>} : memref<1024xf32, #tpu.memory_space<vmem>>, vector<16xf32>,
    tpu.vector_store %arg14[%swap3A_108], %broadcast_in_dim3A_10 {strides = array<i32>} : memref<1024xf32, #tpu.memory_space<vmem>>, vector<16xf32>,
    %swap3A_110 = arith.constant 800 : index
    %swap3A_111 = tpu.vector_load %arg14[%swap3A_110] {strides = array<i32>} : memref<1024xf32, #tpu.memory_space<vmem>>, vector<16xf32>,
    tpu.vector_store %arg14[%swap3A_110], %broadcast_in_dim3A_10 {strides = array<i32>} : memref<1024xf32, #tpu.memory_space<vmem>>, vector<16xf32>,
    %swap3A_112 = arith.constant 816 : index
    %swap3A_113 = tpu.vector_load %arg14[%swap3A_112] {strides = array<i32>} : memref<1024xf32, #tpu.memory_space<vmem>>, vector<16xf32>,
    tpu.vector_store %arg14[%swap3A_112], %broadcast_in_dim3A_10 {strides = array<i32>} : memref<1024xf32, #tpu.memory_space<vmem>>, vector<16xf32>,
    %swap3A_114 = arith.constant 832 : index
    %swap3A_115 = tpu.vector_load %arg14[%swap3A_114] {strides = array<i32>} : memref<1024xf32, #tpu.memory_space<vmem>>, vector<16xf32>,
    tpu.vector_store %arg14[%swap3A_114], %broadcast_in_dim3A_10 {strides = array<i32>} : memref<1024xf32, #tpu.memory_space<vmem>>, vector<16xf32>,
    %swap3A_116 = arith.constant 848 : index
    %swap3A_117 = tpu.vector_load %arg14[%swap3A_116] {strides = array<i32>} : memref<1024xf32, #tpu.memory_space<vmem>>, vector<16xf32>,
    tpu.vector_store %arg14[%swap3A_116], %broadcast_in_dim3A_10 {strides = array<i32>} : memref<1024xf32, #tpu.memory_space<vmem>>, vector<16xf32>,
    %swap3A_118 = arith.constant 864 : index
    %swap3A_119 = tpu.vector_load %arg14[%swap3A_118] {strides = array<i32>} : memref<1024xf32, #tpu.memory_space<vmem>>, vector<16xf32>,
    tpu.vector_store %arg14[%swap3A_118], %broadcast_in_dim3A_10 {strides = array<i32>} : memref<1024xf32, #tpu.memory_space<vmem>>, vector<16xf32>,
    %swap3A_120 = arith.constant 880 : index
    %swap3A_121 = tpu.vector_load %arg14[%swap3A_120] {strides = array<i32>} : memref<1024xf32, #tpu.memory_space<vmem>>, vector<16xf32>,
    tpu.vector_store %arg14[%swap3A_120], %broadcast_in_dim3A_10 {strides = array<i32>} : memref<1024xf32, #tpu.memory_space<vmem>>, vector<16xf32>,
    %swap3A_122 = arith.constant 896 : index
    %swap3A_123 = tpu.vector_load %arg14[%swap3A_122] {strides = array<i32>} : memref<1024xf32, #tpu.memory_space<vmem>>, vector<16xf32>,
    tpu.vector_store %arg14[%swap3A_122], %broadcast_in_dim3A_10 {strides = array<i32>} : memref<1024xf32, #tpu.memory_space<vmem>>, vector<16xf32>,
    %swap3A_124 = arith.constant 912 : index
    %swap3A_125 = tpu.vector_load %arg14[%swap3A_124] {strides = array<i32>} : memref<1024xf32, #tpu.memory_space<vmem>>, vector<16xf32>,
    tpu.vector_store %arg14[%swap3A_124], %broadcast_in_dim3A_10 {strides = array<i32>} : memref<1024xf32, #tpu.memory_space<vmem>>, vector<16xf32>,
    %swap3A_126 = arith.constant 928 : index
    %swap3A_127 = tpu.vector_load %arg14[%swap3A_126] {strides = array<i32>} : memref<1024xf32, #tpu.memory_space<vmem>>, vector<16xf32>,
    tpu.vector_store %arg14[%swap3A_126], %broadcast_in_dim3A_10 {strides = array<i32>} : memref<1024xf32, #tpu.memory_space<vmem>>, vector<16xf32>,
    %swap3A_128 = arith.constant 944 : index
    %swap3A_129 = tpu.vector_load %arg14[%swap3A_128] {strides = array<i32>} : memref<1024xf32, #tpu.memory_space<vmem>>, vector<16xf32>,
    tpu.vector_store %arg14[%swap3A_128], %broadcast_in_dim3A_10 {strides = array<i32>} : memref<1024xf32, #tpu.memory_space<vmem>>, vector<16xf32>,
    %swap3A_130 = arith.constant 960 : index
    %swap3A_131 = tpu.vector_load %arg14[%swap3A_130] {strides = array<i32>} : memref<1024xf32, #tpu.memory_space<vmem>>, vector<16xf32>,
    tpu.vector_store %arg14[%swap3A_130], %broadcast_in_dim3A_10 {strides = array<i32>} : memref<1024xf32, #tpu.memory_space<vmem>>, vector<16xf32>,
    %swap3A_132 = arith.constant 976 : index
    %swap3A_133 = tpu.vector_load %arg14[%swap3A_132] {strides = array<i32>} : memref<1024xf32, #tpu.memory_space<vmem>>, vector<16xf32>,
    tpu.vector_store %arg14[%swap3A_132], %broadcast_in_dim3A_10 {strides = array<i32>} : memref<1024xf32, #tpu.memory_space<vmem>>, vector<16xf32>,
    %swap3A_134 = arith.constant 992 : index
    %swap3A_135 = tpu.vector_load %arg14[%swap3A_134] {strides = array<i32>} : memref<1024xf32, #tpu.memory_space<vmem>>, vector<16xf32>,
    tpu.vector_store %arg14[%swap3A_134], %broadcast_in_dim3A_10 {strides = array<i32>} : memref<1024xf32, #tpu.memory_space<vmem>>, vector<16xf32>,
    %swap3A_136 = arith.constant 1008 : index
    %swap3A_137 = tpu.vector_load %arg14[%swap3A_136] {strides = array<i32>} : memref<1024xf32, #tpu.memory_space<vmem>>, vector<16xf32>,
    tpu.vector_store %arg14[%swap3A_136], %broadcast_in_dim3A_10 {strides = array<i32>} : memref<1024xf32, #tpu.memory_space<vmem>>, vector<16xf32>,
    %dma_wait3A = arith.constant 0 : i32
    %dma_wait3A_138 = tpu.memref_slice %arg2[%dma_wait3A] : memref<10240xf32, #tpu.memory_space<hbm>> -> memref<10000xf32, #tpu.memory_space<hbm>>
    %dma_wait3A_139 = arith.constant 0 : i32
    %dma_wait3A_140 = tpu.memref_slice %arg2[%dma_wait3A_139] : memref<10240xf32, #tpu.memory_space<hbm>> -> memref<10000xf32, #tpu.memory_space<hbm>>
    tpu.wait_dma2 semaphore(%arg19 : memref<!tpu.dma_semaphore, #tpu.memory_space<semaphore_mem>>) src(%dma_wait3A_140 : memref<10000xf32, #tpu.memory_space<hbm>>) dst(%arg9 : memref<10000xf32, #tpu.memory_space<vmem>>)
    tpu.wait_dma2 semaphore(%arg20 : memref<!tpu.dma_semaphore, #tpu.memory_space<semaphore_mem>>) src(%arg3 : memref<10000xi32, #tpu.memory_space<hbm>>) dst(%arg10 : memref<10000xi32, #tpu.memory_space<vmem>>)
    %dma_wait3A_141 = tpu.memref_slice %arg4[%mul3A_0] : memref<320000xi32, #tpu.memory_space<hbm>> -> memref<20000xi32, #tpu.memory_space<hbm>>
    %dma_wait3A_142 = tpu.memref_slice %arg4[%mul3A_0] : memref<320000xi32, #tpu.memory_space<hbm>> -> memref<20000xi32, #tpu.memory_space<hbm>>
    tpu.wait_dma2 semaphore(%arg21 : memref<!tpu.dma_semaphore, #tpu.memory_space<semaphore_mem>>) src(%dma_wait3A_142 : memref<20000xi32, #tpu.memory_space<hbm>>) dst(%arg11 : memref<20000xi32, #tpu.memory_space<vmem>>)
    %dma_wait3A_143 = tpu.memref_slice %arg5[%mul3A_0] : memref<320000xi32, #tpu.memory_space<hbm>> -> memref<20000xi32, #tpu.memory_space<hbm>>
    %dma_wait3A_144 = tpu.memref_slice %arg5[%mul3A_0] : memref<320000xi32, #tpu.memory_space<hbm>> -> memref<20000xi32, #tpu.memory_space<hbm>>
    tpu.wait_dma2 semaphore(%arg22 : memref<!tpu.dma_semaphore, #tpu.memory_space<semaphore_mem>>) src(%dma_wait3A_144 : memref<20000xi32, #tpu.memory_space<hbm>>) dst(%arg12 : memref<20000xi32, #tpu.memory_space<vmem>>)
    %dma_wait3A_145 = tpu.memref_slice %arg6[%mul3A_0] : memref<320512xf32, #tpu.memory_space<hbm>> -> memref<20000xf32, #tpu.memory_space<hbm>>
    %dma_wait3A_146 = tpu.memref_slice %arg6[%mul3A_0] : memref<320512xf32, #tpu.memory_space<hbm>> -> memref<20000xf32, #tpu.memory_space<hbm>>
    tpu.wait_dma2 semaphore(%arg23 : memref<!tpu.dma_semaphore, #tpu.memory_space<semaphore_mem>>) src(%dma_wait3A_146 : memref<20000xf32, #tpu.memory_space<hbm>>) dst(%arg13 : memref<20000xf32, #tpu.memory_space<vmem>>)
    %iota3A = tpu.iota {dimensions = array<i32: 0>} : vector<16xi32>
    %mul3A_147 = arith.constant 64 : i32
    %mul3A_148 = vector.broadcast %mul3A_147 : i32 to vector<16xi32>
    %mul3A_149 = arith.muli %iota3A, %mul3A_148 : vector<16xi32>
    %parallel_loop3A = arith.constant 0 : i32
    %parallel_loop3A_150 = arith.constant 1250 : i32
    %parallel_loop3A_151 = arith.constant 1 : i32
    scf.for %parallel_loop3A_348 = %parallel_loop3A to %parallel_loop3A_150 step %parallel_loop3A_151  : i32 {
      %parallel_loop3A_349 = arith.constant 16 : i32
      %parallel_loop3A_350 = arith.muli %parallel_loop3A_348, %parallel_loop3A_349 : i32
      %parallel_loop3A_351 = arith.index_cast %parallel_loop3A_350 : i32 to index
      %parallel_loop3A_352 = tpu.vector_load %arg11[%parallel_loop3A_351] {strides = array<i32>} : memref<20000xi32, #tpu.memory_space<vmem>>, vector<16xi32>,
      %parallel_loop3A_353 = arith.index_cast %parallel_loop3A_350 : i32 to index
      %parallel_loop3A_354 = tpu.vector_load %arg12[%parallel_loop3A_353] {strides = array<i32>} : memref<20000xi32, #tpu.memory_space<vmem>>, vector<16xi32>,
      %parallel_loop3A_355 = arith.index_cast %parallel_loop3A_350 : i32 to index
      %parallel_loop3A_356 = tpu.vector_load %arg13[%parallel_loop3A_355] {strides = array<i32>} : memref<20000xf32, #tpu.memory_space<vmem>>, vector<16xf32>,
      %parallel_loop3A_357 = tpu.vector_load_idx %arg9[%parallel_loop3A_352] : memref<10000xf32, #tpu.memory_space<vmem>>[vector<16xi32>], vector<16xf32>,
      %parallel_loop3A_358 = tpu.vector_load_idx %arg9[%parallel_loop3A_354] : memref<10000xf32, #tpu.memory_space<vmem>>[vector<16xi32>], vector<16xf32>,
      %parallel_loop3A_359 = tpu.vector_load_idx %arg10[%parallel_loop3A_352] : memref<10000xi32, #tpu.memory_space<vmem>>[vector<16xi32>], vector<16xi32>,
      %parallel_loop3A_360 = arith.mulf %parallel_loop3A_357, %parallel_loop3A_358 : vector<16xf32>
      %parallel_loop3A_361 = arith.mulf %parallel_loop3A_360, %parallel_loop3A_356 : vector<16xf32>
      %parallel_loop3A_362 = arith.addi %mul3A_149, %parallel_loop3A_359 : vector<16xi32>
      tpu.vector_store_idx %arg14[%parallel_loop3A_362], %parallel_loop3A_361 {add = true} : memref<1024xf32, #tpu.memory_space<vmem>>[vector<16xi32>], vector<16xf32>,
    } {sc.loop_unroll_factor = 10 : i64, sc.parallel_access}
    %get3A = arith.constant 0 : index
    %get3A_152 = tpu.vector_load %arg14[%get3A] {strides = array<i32>} : memref<1024xf32, #tpu.memory_space<vmem>>, vector<16xf32>,
    %get3A_153 = arith.constant 64 : index
    %get3A_154 = tpu.vector_load %arg14[%get3A_153] {strides = array<i32>} : memref<1024xf32, #tpu.memory_space<vmem>>, vector<16xf32>,
    %add3A = arith.addf %get3A_152, %get3A_154 : vector<16xf32>
    %get3A_155 = arith.constant 128 : index
    %get3A_156 = tpu.vector_load %arg14[%get3A_155] {strides = array<i32>} : memref<1024xf32, #tpu.memory_space<vmem>>, vector<16xf32>,
    %add3A_157 = arith.addf %add3A, %get3A_156 : vector<16xf32>
    %get3A_158 = arith.constant 192 : index
    %get3A_159 = tpu.vector_load %arg14[%get3A_158] {strides = array<i32>} : memref<1024xf32, #tpu.memory_space<vmem>>, vector<16xf32>,
    %add3A_160 = arith.addf %add3A_157, %get3A_159 : vector<16xf32>
    %get3A_161 = arith.constant 256 : index
    %get3A_162 = tpu.vector_load %arg14[%get3A_161] {strides = array<i32>} : memref<1024xf32, #tpu.memory_space<vmem>>, vector<16xf32>,
    %add3A_163 = arith.addf %add3A_160, %get3A_162 : vector<16xf32>
    %get3A_164 = arith.constant 320 : index
    %get3A_165 = tpu.vector_load %arg14[%get3A_164] {strides = array<i32>} : memref<1024xf32, #tpu.memory_space<vmem>>, vector<16xf32>,
    %add3A_166 = arith.addf %add3A_163, %get3A_165 : vector<16xf32>
    %get3A_167 = arith.constant 384 : index
    %get3A_168 = tpu.vector_load %arg14[%get3A_167] {strides = array<i32>} : memref<1024xf32, #tpu.memory_space<vmem>>, vector<16xf32>,
    %add3A_169 = arith.addf %add3A_166, %get3A_168 : vector<16xf32>
    %get3A_170 = arith.constant 448 : index
    %get3A_171 = tpu.vector_load %arg14[%get3A_170] {strides = array<i32>} : memref<1024xf32, #tpu.memory_space<vmem>>, vector<16xf32>,
    %add3A_172 = arith.addf %add3A_169, %get3A_171 : vector<16xf32>
    %get3A_173 = arith.constant 512 : index
    %get3A_174 = tpu.vector_load %arg14[%get3A_173] {strides = array<i32>} : memref<1024xf32, #tpu.memory_space<vmem>>, vector<16xf32>,
    %add3A_175 = arith.addf %add3A_172, %get3A_174 : vector<16xf32>
    %get3A_176 = arith.constant 576 : index
    %get3A_177 = tpu.vector_load %arg14[%get3A_176] {strides = array<i32>} : memref<1024xf32, #tpu.memory_space<vmem>>, vector<16xf32>,
    %add3A_178 = arith.addf %add3A_175, %get3A_177 : vector<16xf32>
    %get3A_179 = arith.constant 640 : index
    %get3A_180 = tpu.vector_load %arg14[%get3A_179] {strides = array<i32>} : memref<1024xf32, #tpu.memory_space<vmem>>, vector<16xf32>,
    %add3A_181 = arith.addf %add3A_178, %get3A_180 : vector<16xf32>
    %get3A_182 = arith.constant 704 : index
    %get3A_183 = tpu.vector_load %arg14[%get3A_182] {strides = array<i32>} : memref<1024xf32, #tpu.memory_space<vmem>>, vector<16xf32>,
    %add3A_184 = arith.addf %add3A_181, %get3A_183 : vector<16xf32>
    %get3A_185 = arith.constant 768 : index
    %get3A_186 = tpu.vector_load %arg14[%get3A_185] {strides = array<i32>} : memref<1024xf32, #tpu.memory_space<vmem>>, vector<16xf32>,
    %add3A_187 = arith.addf %add3A_184, %get3A_186 : vector<16xf32>
    %get3A_188 = arith.constant 832 : index
    %get3A_189 = tpu.vector_load %arg14[%get3A_188] {strides = array<i32>} : memref<1024xf32, #tpu.memory_space<vmem>>, vector<16xf32>,
    %add3A_190 = arith.addf %add3A_187, %get3A_189 : vector<16xf32>
    %get3A_191 = arith.constant 896 : index
    %get3A_192 = tpu.vector_load %arg14[%get3A_191] {strides = array<i32>} : memref<1024xf32, #tpu.memory_space<vmem>>, vector<16xf32>,
    %add3A_193 = arith.addf %add3A_190, %get3A_192 : vector<16xf32>
    %get3A_194 = arith.constant 960 : index
    %get3A_195 = tpu.vector_load %arg14[%get3A_194] {strides = array<i32>} : memref<1024xf32, #tpu.memory_space<vmem>>, vector<16xf32>,
    %add3A_196 = arith.addf %add3A_193, %get3A_195 : vector<16xf32>
    %swap3A_197 = arith.constant 0 : index
    %swap3A_198 = tpu.vector_load %arg15[%swap3A_197] {strides = array<i32>} : memref<64xf32, #tpu.memory_space<vmem>>, vector<16xf32>,
    tpu.vector_store %arg15[%swap3A_197], %add3A_196 {strides = array<i32>} : memref<64xf32, #tpu.memory_space<vmem>>, vector<16xf32>,
    %get3A_199 = arith.constant 16 : index
    %get3A_200 = tpu.vector_load %arg14[%get3A_199] {strides = array<i32>} : memref<1024xf32, #tpu.memory_space<vmem>>, vector<16xf32>,
    %get3A_201 = arith.constant 80 : index
    %get3A_202 = tpu.vector_load %arg14[%get3A_201] {strides = array<i32>} : memref<1024xf32, #tpu.memory_space<vmem>>, vector<16xf32>,
    %add3A_203 = arith.addf %get3A_200, %get3A_202 : vector<16xf32>
    %get3A_204 = arith.constant 144 : index
    %get3A_205 = tpu.vector_load %arg14[%get3A_204] {strides = array<i32>} : memref<1024xf32, #tpu.memory_space<vmem>>, vector<16xf32>,
    %add3A_206 = arith.addf %add3A_203, %get3A_205 : vector<16xf32>
    %get3A_207 = arith.constant 208 : index
    %get3A_208 = tpu.vector_load %arg14[%get3A_207] {strides = array<i32>} : memref<1024xf32, #tpu.memory_space<vmem>>, vector<16xf32>,
    %add3A_209 = arith.addf %add3A_206, %get3A_208 : vector<16xf32>
    %get3A_210 = arith.constant 272 : index
    %get3A_211 = tpu.vector_load %arg14[%get3A_210] {strides = array<i32>} : memref<1024xf32, #tpu.memory_space<vmem>>, vector<16xf32>,
    %add3A_212 = arith.addf %add3A_209, %get3A_211 : vector<16xf32>
    %get3A_213 = arith.constant 336 : index
    %get3A_214 = tpu.vector_load %arg14[%get3A_213] {strides = array<i32>} : memref<1024xf32, #tpu.memory_space<vmem>>, vector<16xf32>,
    %add3A_215 = arith.addf %add3A_212, %get3A_214 : vector<16xf32>
    %get3A_216 = arith.constant 400 : index
    %get3A_217 = tpu.vector_load %arg14[%get3A_216] {strides = array<i32>} : memref<1024xf32, #tpu.memory_space<vmem>>, vector<16xf32>,
    %add3A_218 = arith.addf %add3A_215, %get3A_217 : vector<16xf32>
    %get3A_219 = arith.constant 464 : index
    %get3A_220 = tpu.vector_load %arg14[%get3A_219] {strides = array<i32>} : memref<1024xf32, #tpu.memory_space<vmem>>, vector<16xf32>,
    %add3A_221 = arith.addf %add3A_218, %get3A_220 : vector<16xf32>
    %get3A_222 = arith.constant 528 : index
    %get3A_223 = tpu.vector_load %arg14[%get3A_222] {strides = array<i32>} : memref<1024xf32, #tpu.memory_space<vmem>>, vector<16xf32>,
    %add3A_224 = arith.addf %add3A_221, %get3A_223 : vector<16xf32>
    %get3A_225 = arith.constant 592 : index
    %get3A_226 = tpu.vector_load %arg14[%get3A_225] {strides = array<i32>} : memref<1024xf32, #tpu.memory_space<vmem>>, vector<16xf32>,
    %add3A_227 = arith.addf %add3A_224, %get3A_226 : vector<16xf32>
    %get3A_228 = arith.constant 656 : index
    %get3A_229 = tpu.vector_load %arg14[%get3A_228] {strides = array<i32>} : memref<1024xf32, #tpu.memory_space<vmem>>, vector<16xf32>,
    %add3A_230 = arith.addf %add3A_227, %get3A_229 : vector<16xf32>
    %get3A_231 = arith.constant 720 : index
    %get3A_232 = tpu.vector_load %arg14[%get3A_231] {strides = array<i32>} : memref<1024xf32, #tpu.memory_space<vmem>>, vector<16xf32>,
    %add3A_233 = arith.addf %add3A_230, %get3A_232 : vector<16xf32>
    %get3A_234 = arith.constant 784 : index
    %get3A_235 = tpu.vector_load %arg14[%get3A_234] {strides = array<i32>} : memref<1024xf32, #tpu.memory_space<vmem>>, vector<16xf32>,
    %add3A_236 = arith.addf %add3A_233, %get3A_235 : vector<16xf32>
    %get3A_237 = arith.constant 848 : index
    %get3A_238 = tpu.vector_load %arg14[%get3A_237] {strides = array<i32>} : memref<1024xf32, #tpu.memory_space<vmem>>, vector<16xf32>,
    %add3A_239 = arith.addf %add3A_236, %get3A_238 : vector<16xf32>
    %get3A_240 = arith.constant 912 : index
    %get3A_241 = tpu.vector_load %arg14[%get3A_240] {strides = array<i32>} : memref<1024xf32, #tpu.memory_space<vmem>>, vector<16xf32>,
    %add3A_242 = arith.addf %add3A_239, %get3A_241 : vector<16xf32>
    %get3A_243 = arith.constant 976 : index
    %get3A_244 = tpu.vector_load %arg14[%get3A_243] {strides = array<i32>} : memref<1024xf32, #tpu.memory_space<vmem>>, vector<16xf32>,
    %add3A_245 = arith.addf %add3A_242, %get3A_244 : vector<16xf32>
    %swap3A_246 = arith.constant 16 : index
    %swap3A_247 = tpu.vector_load %arg15[%swap3A_246] {strides = array<i32>} : memref<64xf32, #tpu.memory_space<vmem>>, vector<16xf32>,
    tpu.vector_store %arg15[%swap3A_246], %add3A_245 {strides = array<i32>} : memref<64xf32, #tpu.memory_space<vmem>>, vector<16xf32>,
    %get3A_248 = arith.constant 32 : index
    %get3A_249 = tpu.vector_load %arg14[%get3A_248] {strides = array<i32>} : memref<1024xf32, #tpu.memory_space<vmem>>, vector<16xf32>,
    %get3A_250 = arith.constant 96 : index
    %get3A_251 = tpu.vector_load %arg14[%get3A_250] {strides = array<i32>} : memref<1024xf32, #tpu.memory_space<vmem>>, vector<16xf32>,
    %add3A_252 = arith.addf %get3A_249, %get3A_251 : vector<16xf32>
    %get3A_253 = arith.constant 160 : index
    %get3A_254 = tpu.vector_load %arg14[%get3A_253] {strides = array<i32>} : memref<1024xf32, #tpu.memory_space<vmem>>, vector<16xf32>,
    %add3A_255 = arith.addf %add3A_252, %get3A_254 : vector<16xf32>
    %get3A_256 = arith.constant 224 : index
    %get3A_257 = tpu.vector_load %arg14[%get3A_256] {strides = array<i32>} : memref<1024xf32, #tpu.memory_space<vmem>>, vector<16xf32>,
    %add3A_258 = arith.addf %add3A_255, %get3A_257 : vector<16xf32>
    %get3A_259 = arith.constant 288 : index
    %get3A_260 = tpu.vector_load %arg14[%get3A_259] {strides = array<i32>} : memref<1024xf32, #tpu.memory_space<vmem>>, vector<16xf32>,
    %add3A_261 = arith.addf %add3A_258, %get3A_260 : vector<16xf32>
    %get3A_262 = arith.constant 352 : index
    %get3A_263 = tpu.vector_load %arg14[%get3A_262] {strides = array<i32>} : memref<1024xf32, #tpu.memory_space<vmem>>, vector<16xf32>,
    %add3A_264 = arith.addf %add3A_261, %get3A_263 : vector<16xf32>
    %get3A_265 = arith.constant 416 : index
    %get3A_266 = tpu.vector_load %arg14[%get3A_265] {strides = array<i32>} : memref<1024xf32, #tpu.memory_space<vmem>>, vector<16xf32>,
    %add3A_267 = arith.addf %add3A_264, %get3A_266 : vector<16xf32>
    %get3A_268 = arith.constant 480 : index
    %get3A_269 = tpu.vector_load %arg14[%get3A_268] {strides = array<i32>} : memref<1024xf32, #tpu.memory_space<vmem>>, vector<16xf32>,
    %add3A_270 = arith.addf %add3A_267, %get3A_269 : vector<16xf32>
    %get3A_271 = arith.constant 544 : index
    %get3A_272 = tpu.vector_load %arg14[%get3A_271] {strides = array<i32>} : memref<1024xf32, #tpu.memory_space<vmem>>, vector<16xf32>,
    %add3A_273 = arith.addf %add3A_270, %get3A_272 : vector<16xf32>
    %get3A_274 = arith.constant 608 : index
    %get3A_275 = tpu.vector_load %arg14[%get3A_274] {strides = array<i32>} : memref<1024xf32, #tpu.memory_space<vmem>>, vector<16xf32>,
    %add3A_276 = arith.addf %add3A_273, %get3A_275 : vector<16xf32>
    %get3A_277 = arith.constant 672 : index
    %get3A_278 = tpu.vector_load %arg14[%get3A_277] {strides = array<i32>} : memref<1024xf32, #tpu.memory_space<vmem>>, vector<16xf32>,
    %add3A_279 = arith.addf %add3A_276, %get3A_278 : vector<16xf32>
    %get3A_280 = arith.constant 736 : index
    %get3A_281 = tpu.vector_load %arg14[%get3A_280] {strides = array<i32>} : memref<1024xf32, #tpu.memory_space<vmem>>, vector<16xf32>,
    %add3A_282 = arith.addf %add3A_279, %get3A_281 : vector<16xf32>
    %get3A_283 = arith.constant 800 : index
    %get3A_284 = tpu.vector_load %arg14[%get3A_283] {strides = array<i32>} : memref<1024xf32, #tpu.memory_space<vmem>>, vector<16xf32>,
    %add3A_285 = arith.addf %add3A_282, %get3A_284 : vector<16xf32>
    %get3A_286 = arith.constant 864 : index
    %get3A_287 = tpu.vector_load %arg14[%get3A_286] {strides = array<i32>} : memref<1024xf32, #tpu.memory_space<vmem>>, vector<16xf32>,
    %add3A_288 = arith.addf %add3A_285, %get3A_287 : vector<16xf32>
    %get3A_289 = arith.constant 928 : index
    %get3A_290 = tpu.vector_load %arg14[%get3A_289] {strides = array<i32>} : memref<1024xf32, #tpu.memory_space<vmem>>, vector<16xf32>,
    %add3A_291 = arith.addf %add3A_288, %get3A_290 : vector<16xf32>
    %get3A_292 = arith.constant 992 : index
    %get3A_293 = tpu.vector_load %arg14[%get3A_292] {strides = array<i32>} : memref<1024xf32, #tpu.memory_space<vmem>>, vector<16xf32>,
    %add3A_294 = arith.addf %add3A_291, %get3A_293 : vector<16xf32>
    %swap3A_295 = arith.constant 32 : index
    %swap3A_296 = tpu.vector_load %arg15[%swap3A_295] {strides = array<i32>} : memref<64xf32, #tpu.memory_space<vmem>>, vector<16xf32>,
    tpu.vector_store %arg15[%swap3A_295], %add3A_294 {strides = array<i32>} : memref<64xf32, #tpu.memory_space<vmem>>, vector<16xf32>,
    %get3A_297 = arith.constant 48 : index
    %get3A_298 = tpu.vector_load %arg14[%get3A_297] {strides = array<i32>} : memref<1024xf32, #tpu.memory_space<vmem>>, vector<16xf32>,
    %get3A_299 = arith.constant 112 : index
    %get3A_300 = tpu.vector_load %arg14[%get3A_299] {strides = array<i32>} : memref<1024xf32, #tpu.memory_space<vmem>>, vector<16xf32>,
    %add3A_301 = arith.addf %get3A_298, %get3A_300 : vector<16xf32>
    %get3A_302 = arith.constant 176 : index
    %get3A_303 = tpu.vector_load %arg14[%get3A_302] {strides = array<i32>} : memref<1024xf32, #tpu.memory_space<vmem>>, vector<16xf32>,
    %add3A_304 = arith.addf %add3A_301, %get3A_303 : vector<16xf32>
    %get3A_305 = arith.constant 240 : index
    %get3A_306 = tpu.vector_load %arg14[%get3A_305] {strides = array<i32>} : memref<1024xf32, #tpu.memory_space<vmem>>, vector<16xf32>,
    %add3A_307 = arith.addf %add3A_304, %get3A_306 : vector<16xf32>
    %get3A_308 = arith.constant 304 : index
    %get3A_309 = tpu.vector_load %arg14[%get3A_308] {strides = array<i32>} : memref<1024xf32, #tpu.memory_space<vmem>>, vector<16xf32>,
    %add3A_310 = arith.addf %add3A_307, %get3A_309 : vector<16xf32>
    %get3A_311 = arith.constant 368 : index
    %get3A_312 = tpu.vector_load %arg14[%get3A_311] {strides = array<i32>} : memref<1024xf32, #tpu.memory_space<vmem>>, vector<16xf32>,
    %add3A_313 = arith.addf %add3A_310, %get3A_312 : vector<16xf32>
    %get3A_314 = arith.constant 432 : index
    %get3A_315 = tpu.vector_load %arg14[%get3A_314] {strides = array<i32>} : memref<1024xf32, #tpu.memory_space<vmem>>, vector<16xf32>,
    %add3A_316 = arith.addf %add3A_313, %get3A_315 : vector<16xf32>
    %get3A_317 = arith.constant 496 : index
    %get3A_318 = tpu.vector_load %arg14[%get3A_317] {strides = array<i32>} : memref<1024xf32, #tpu.memory_space<vmem>>, vector<16xf32>,
    %add3A_319 = arith.addf %add3A_316, %get3A_318 : vector<16xf32>
    %get3A_320 = arith.constant 560 : index
    %get3A_321 = tpu.vector_load %arg14[%get3A_320] {strides = array<i32>} : memref<1024xf32, #tpu.memory_space<vmem>>, vector<16xf32>,
    %add3A_322 = arith.addf %add3A_319, %get3A_321 : vector<16xf32>
    %get3A_323 = arith.constant 624 : index
    %get3A_324 = tpu.vector_load %arg14[%get3A_323] {strides = array<i32>} : memref<1024xf32, #tpu.memory_space<vmem>>, vector<16xf32>,
    %add3A_325 = arith.addf %add3A_322, %get3A_324 : vector<16xf32>
    %get3A_326 = arith.constant 688 : index
    %get3A_327 = tpu.vector_load %arg14[%get3A_326] {strides = array<i32>} : memref<1024xf32, #tpu.memory_space<vmem>>, vector<16xf32>,
    %add3A_328 = arith.addf %add3A_325, %get3A_327 : vector<16xf32>
    %get3A_329 = arith.constant 752 : index
    %get3A_330 = tpu.vector_load %arg14[%get3A_329] {strides = array<i32>} : memref<1024xf32, #tpu.memory_space<vmem>>, vector<16xf32>,
    %add3A_331 = arith.addf %add3A_328, %get3A_330 : vector<16xf32>
    %get3A_332 = arith.constant 816 : index
    %get3A_333 = tpu.vector_load %arg14[%get3A_332] {strides = array<i32>} : memref<1024xf32, #tpu.memory_space<vmem>>, vector<16xf32>,
    %add3A_334 = arith.addf %add3A_331, %get3A_333 : vector<16xf32>
    %get3A_335 = arith.constant 880 : index
    %get3A_336 = tpu.vector_load %arg14[%get3A_335] {strides = array<i32>} : memref<1024xf32, #tpu.memory_space<vmem>>, vector<16xf32>,
    %add3A_337 = arith.addf %add3A_334, %get3A_336 : vector<16xf32>
    %get3A_338 = arith.constant 944 : index
    %get3A_339 = tpu.vector_load %arg14[%get3A_338] {strides = array<i32>} : memref<1024xf32, #tpu.memory_space<vmem>>, vector<16xf32>,
    %add3A_340 = arith.addf %add3A_337, %get3A_339 : vector<16xf32>
    %get3A_341 = arith.constant 1008 : index
    %get3A_342 = tpu.vector_load %arg14[%get3A_341] {strides = array<i32>} : memref<1024xf32, #tpu.memory_space<vmem>>, vector<16xf32>,
    %add3A_343 = arith.addf %add3A_340, %get3A_342 : vector<16xf32>
    %swap3A_344 = arith.constant 48 : index
    %swap3A_345 = tpu.vector_load %arg15[%swap3A_344] {strides = array<i32>} : memref<64xf32, #tpu.memory_space<vmem>>, vector<16xf32>,
    tpu.vector_store %arg15[%swap3A_344], %add3A_343 {strides = array<i32>} : memref<64xf32, #tpu.memory_space<vmem>>, vector<16xf32>,
    "tpu.region"() ({
      %run_scoped3A = tpu.sem_alloc : memref<!tpu.dma_semaphore, #tpu.memory_space<semaphore_mem>>
      %dma_start3A_348 = arith.constant 0 : i32
      %dma_start3A_349 = tpu.memref_slice %arg18[%arg1, %dma_start3A_348] : memref<16x64xf32, #tpu.memory_space<vmem_shared>> -> memref<1x64xf32, #tpu.memory_space<vmem_shared>>
      %dma_start3A_350 = tpu.memref_squeeze %dma_start3A_349 : memref<1x64xf32, #tpu.memory_space<vmem_shared>> -> memref<64xf32, #tpu.memory_space<vmem_shared>>
      %dma_start3A_351 = arith.constant 0 : i32
      %dma_start3A_352 = tpu.memref_slice %arg18[%arg1, %dma_start3A_351] : memref<16x64xf32, #tpu.memory_space<vmem_shared>> -> memref<1x64xf32, #tpu.memory_space<vmem_shared>>
      %dma_start3A_353 = tpu.memref_squeeze %dma_start3A_352 : memref<1x64xf32, #tpu.memory_space<vmem_shared>> -> memref<64xf32, #tpu.memory_space<vmem_shared>>
      tpu.enqueue_dma source(%arg15 : memref<64xf32, #tpu.memory_space<vmem>>) target(%dma_start3A_353 : memref<64xf32, #tpu.memory_space<vmem_shared>>) target_semaphore(%run_scoped3A : memref<!tpu.dma_semaphore, #tpu.memory_space<semaphore_mem>>)
      %dma_wait3A_354 = arith.constant 0 : i32
      %dma_wait3A_355 = tpu.memref_slice %arg18[%arg1, %dma_wait3A_354] : memref<16x64xf32, #tpu.memory_space<vmem_shared>> -> memref<1x64xf32, #tpu.memory_space<vmem_shared>>
      %dma_wait3A_356 = tpu.memref_squeeze %dma_wait3A_355 : memref<1x64xf32, #tpu.memory_space<vmem_shared>> -> memref<64xf32, #tpu.memory_space<vmem_shared>>
      %dma_wait3A_357 = arith.constant 0 : i32
      %dma_wait3A_358 = tpu.memref_slice %arg18[%arg1, %dma_wait3A_357] : memref<16x64xf32, #tpu.memory_space<vmem_shared>> -> memref<1x64xf32, #tpu.memory_space<vmem_shared>>
      %dma_wait3A_359 = tpu.memref_squeeze %dma_wait3A_358 : memref<1x64xf32, #tpu.memory_space<vmem_shared>> -> memref<64xf32, #tpu.memory_space<vmem_shared>>
      tpu.wait_dma2 semaphore(%run_scoped3A : memref<!tpu.dma_semaphore, #tpu.memory_space<semaphore_mem>>) src(%arg15 : memref<64xf32, #tpu.memory_space<vmem>>) dst(%dma_wait3A_359 : memref<64xf32, #tpu.memory_space<vmem_shared>>)
      tpu.yield
    }) : () -> ()
    %barrier3A = arith.constant 0 : index
    tpu.barrier barrier_id(%barrier3A)
    %eq3A = arith.constant 0 : i32
    %eq3A_346 = arith.cmpi eq, %arg1, %eq3A : i32
    %convert_element_type3A = arith.extui %eq3A_346 : i1 to i32
    %cond3A = arith.constant 0 : i32
    %cond3A_347 = arith.cmpi ne, %convert_element_type3A, %cond3A : i32
    scf.if %cond3A_347 {
      "tpu.region"() ({
        %run_scoped3A = tpu.sem_alloc : memref<!tpu.dma_semaphore, #tpu.memory_space<semaphore_mem>>
        tpu.enqueue_dma source(%arg18 : memref<16x64xf32, #tpu.memory_space<vmem_shared>>) target(%arg16 : memref<16x64xf32, #tpu.memory_space<vmem>>) target_semaphore(%run_scoped3A : memref<!tpu.dma_semaphore, #tpu.memory_space<semaphore_mem>>)
        tpu.wait_dma2 semaphore(%run_scoped3A : memref<!tpu.dma_semaphore, #tpu.memory_space<semaphore_mem>>) src(%arg18 : memref<16x64xf32, #tpu.memory_space<vmem_shared>>) dst(%arg16 : memref<16x64xf32, #tpu.memory_space<vmem>>)
        tpu.yield
      }) : () -> ()
      "tpu.region"() ({
        %run_scoped3A = tpu.sem_alloc : memref<!tpu.dma_semaphore, #tpu.memory_space<semaphore_mem>>
        tpu.enqueue_dma source(%arg7 : memref<64xf32, #tpu.memory_space<hbm>>) target(%arg17 : memref<64xf32, #tpu.memory_space<vmem>>) target_semaphore(%run_scoped3A : memref<!tpu.dma_semaphore, #tpu.memory_space<semaphore_mem>>)
        tpu.wait_dma2 semaphore(%run_scoped3A : memref<!tpu.dma_semaphore, #tpu.memory_space<semaphore_mem>>) src(%arg7 : memref<64xf32, #tpu.memory_space<hbm>>) dst(%arg17 : memref<64xf32, #tpu.memory_space<vmem>>)
        tpu.yield
      }) : () -> ()
      %get3A_348 = arith.constant 0 : index
      %get3A_349 = tpu.vector_load %arg17[%get3A_348] {strides = array<i32>} : memref<64xf32, #tpu.memory_space<vmem>>, vector<16xf32>,
      %get3A_350 = arith.constant 0 : i32
      %get3A_351 = arith.index_cast %get3A_350 : i32 to index
      %get3A_352 = arith.constant 0 : index
      %get3A_353 = tpu.vector_load %arg16[%get3A_351, %get3A_352] {strides = array<i32>} : memref<16x64xf32, #tpu.memory_space<vmem>>, vector<16xf32>,
      %add3A_354 = arith.addf %get3A_349, %get3A_353 : vector<16xf32>
      %get3A_355 = arith.constant 1 : i32
      %get3A_356 = arith.index_cast %get3A_355 : i32 to index
      %get3A_357 = arith.constant 0 : index
      %get3A_358 = tpu.vector_load %arg16[%get3A_356, %get3A_357] {strides = array<i32>} : memref<16x64xf32, #tpu.memory_space<vmem>>, vector<16xf32>,
      %add3A_359 = arith.addf %add3A_354, %get3A_358 : vector<16xf32>
      %get3A_360 = arith.constant 2 : i32
      %get3A_361 = arith.index_cast %get3A_360 : i32 to index
      %get3A_362 = arith.constant 0 : index
      %get3A_363 = tpu.vector_load %arg16[%get3A_361, %get3A_362] {strides = array<i32>} : memref<16x64xf32, #tpu.memory_space<vmem>>, vector<16xf32>,
      %add3A_364 = arith.addf %add3A_359, %get3A_363 : vector<16xf32>
      %get3A_365 = arith.constant 3 : i32
      %get3A_366 = arith.index_cast %get3A_365 : i32 to index
      %get3A_367 = arith.constant 0 : index
      %get3A_368 = tpu.vector_load %arg16[%get3A_366, %get3A_367] {strides = array<i32>} : memref<16x64xf32, #tpu.memory_space<vmem>>, vector<16xf32>,
      %add3A_369 = arith.addf %add3A_364, %get3A_368 : vector<16xf32>
      %get3A_370 = arith.constant 4 : i32
      %get3A_371 = arith.index_cast %get3A_370 : i32 to index
      %get3A_372 = arith.constant 0 : index
      %get3A_373 = tpu.vector_load %arg16[%get3A_371, %get3A_372] {strides = array<i32>} : memref<16x64xf32, #tpu.memory_space<vmem>>, vector<16xf32>,
      %add3A_374 = arith.addf %add3A_369, %get3A_373 : vector<16xf32>
      %get3A_375 = arith.constant 5 : i32
      %get3A_376 = arith.index_cast %get3A_375 : i32 to index
      %get3A_377 = arith.constant 0 : index
      %get3A_378 = tpu.vector_load %arg16[%get3A_376, %get3A_377] {strides = array<i32>} : memref<16x64xf32, #tpu.memory_space<vmem>>, vector<16xf32>,
      %add3A_379 = arith.addf %add3A_374, %get3A_378 : vector<16xf32>
      %get3A_380 = arith.constant 6 : i32
      %get3A_381 = arith.index_cast %get3A_380 : i32 to index
      %get3A_382 = arith.constant 0 : index
      %get3A_383 = tpu.vector_load %arg16[%get3A_381, %get3A_382] {strides = array<i32>} : memref<16x64xf32, #tpu.memory_space<vmem>>, vector<16xf32>,
      %add3A_384 = arith.addf %add3A_379, %get3A_383 : vector<16xf32>
      %get3A_385 = arith.constant 7 : i32
      %get3A_386 = arith.index_cast %get3A_385 : i32 to index
      %get3A_387 = arith.constant 0 : index
      %get3A_388 = tpu.vector_load %arg16[%get3A_386, %get3A_387] {strides = array<i32>} : memref<16x64xf32, #tpu.memory_space<vmem>>, vector<16xf32>,
      %add3A_389 = arith.addf %add3A_384, %get3A_388 : vector<16xf32>
      %get3A_390 = arith.constant 8 : i32
      %get3A_391 = arith.index_cast %get3A_390 : i32 to index
      %get3A_392 = arith.constant 0 : index
      %get3A_393 = tpu.vector_load %arg16[%get3A_391, %get3A_392] {strides = array<i32>} : memref<16x64xf32, #tpu.memory_space<vmem>>, vector<16xf32>,
      %add3A_394 = arith.addf %add3A_389, %get3A_393 : vector<16xf32>
      %get3A_395 = arith.constant 9 : i32
      %get3A_396 = arith.index_cast %get3A_395 : i32 to index
      %get3A_397 = arith.constant 0 : index
      %get3A_398 = tpu.vector_load %arg16[%get3A_396, %get3A_397] {strides = array<i32>} : memref<16x64xf32, #tpu.memory_space<vmem>>, vector<16xf32>,
      %add3A_399 = arith.addf %add3A_394, %get3A_398 : vector<16xf32>
      %get3A_400 = arith.constant 10 : i32
      %get3A_401 = arith.index_cast %get3A_400 : i32 to index
      %get3A_402 = arith.constant 0 : index
      %get3A_403 = tpu.vector_load %arg16[%get3A_401, %get3A_402] {strides = array<i32>} : memref<16x64xf32, #tpu.memory_space<vmem>>, vector<16xf32>,
      %add3A_404 = arith.addf %add3A_399, %get3A_403 : vector<16xf32>
      %get3A_405 = arith.constant 11 : i32
      %get3A_406 = arith.index_cast %get3A_405 : i32 to index
      %get3A_407 = arith.constant 0 : index
      %get3A_408 = tpu.vector_load %arg16[%get3A_406, %get3A_407] {strides = array<i32>} : memref<16x64xf32, #tpu.memory_space<vmem>>, vector<16xf32>,
      %add3A_409 = arith.addf %add3A_404, %get3A_408 : vector<16xf32>
      %get3A_410 = arith.constant 12 : i32
      %get3A_411 = arith.index_cast %get3A_410 : i32 to index
      %get3A_412 = arith.constant 0 : index
      %get3A_413 = tpu.vector_load %arg16[%get3A_411, %get3A_412] {strides = array<i32>} : memref<16x64xf32, #tpu.memory_space<vmem>>, vector<16xf32>,
      %add3A_414 = arith.addf %add3A_409, %get3A_413 : vector<16xf32>
      %get3A_415 = arith.constant 13 : i32
      %get3A_416 = arith.index_cast %get3A_415 : i32 to index
      %get3A_417 = arith.constant 0 : index
      %get3A_418 = tpu.vector_load %arg16[%get3A_416, %get3A_417] {strides = array<i32>} : memref<16x64xf32, #tpu.memory_space<vmem>>, vector<16xf32>,
      %add3A_419 = arith.addf %add3A_414, %get3A_418 : vector<16xf32>
      %get3A_420 = arith.constant 14 : i32
      %get3A_421 = arith.index_cast %get3A_420 : i32 to index
      %get3A_422 = arith.constant 0 : index
      %get3A_423 = tpu.vector_load %arg16[%get3A_421, %get3A_422] {strides = array<i32>} : memref<16x64xf32, #tpu.memory_space<vmem>>, vector<16xf32>,
      %add3A_424 = arith.addf %add3A_419, %get3A_423 : vector<16xf32>
      %get3A_425 = arith.constant 15 : i32
      %get3A_426 = arith.index_cast %get3A_425 : i32 to index
      %get3A_427 = arith.constant 0 : index
      %get3A_428 = tpu.vector_load %arg16[%get3A_426, %get3A_427] {strides = array<i32>} : memref<16x64xf32, #tpu.memory_space<vmem>>, vector<16xf32>,
      %add3A_429 = arith.addf %add3A_424, %get3A_428 : vector<16xf32>
      %swap3A_430 = arith.constant 0 : index
      %swap3A_431 = tpu.vector_load %arg15[%swap3A_430] {strides = array<i32>} : memref<64xf32, #tpu.memory_space<vmem>>, vector<16xf32>,
      tpu.vector_store %arg15[%swap3A_430], %add3A_429 {strides = array<i32>} : memref<64xf32, #tpu.memory_space<vmem>>, vector<16xf32>,
      %get3A_432 = arith.constant 16 : index
      %get3A_433 = tpu.vector_load %arg17[%get3A_432] {strides = array<i32>} : memref<64xf32, #tpu.memory_space<vmem>>, vector<16xf32>,
      %get3A_434 = arith.constant 0 : i32
      %get3A_435 = arith.index_cast %get3A_434 : i32 to index
      %get3A_436 = arith.constant 16 : index
      %get3A_437 = tpu.vector_load %arg16[%get3A_435, %get3A_436] {strides = array<i32>} : memref<16x64xf32, #tpu.memory_space<vmem>>, vector<16xf32>,
      %add3A_438 = arith.addf %get3A_433, %get3A_437 : vector<16xf32>
      %get3A_439 = arith.constant 1 : i32
      %get3A_440 = arith.index_cast %get3A_439 : i32 to index
      %get3A_441 = arith.constant 16 : index
      %get3A_442 = tpu.vector_load %arg16[%get3A_440, %get3A_441] {strides = array<i32>} : memref<16x64xf32, #tpu.memory_space<vmem>>, vector<16xf32>,
      %add3A_443 = arith.addf %add3A_438, %get3A_442 : vector<16xf32>
      %get3A_444 = arith.constant 2 : i32
      %get3A_445 = arith.index_cast %get3A_444 : i32 to index
      %get3A_446 = arith.constant 16 : index
      %get3A_447 = tpu.vector_load %arg16[%get3A_445, %get3A_446] {strides = array<i32>} : memref<16x64xf32, #tpu.memory_space<vmem>>, vector<16xf32>,
      %add3A_448 = arith.addf %add3A_443, %get3A_447 : vector<16xf32>
      %get3A_449 = arith.constant 3 : i32
      %get3A_450 = arith.index_cast %get3A_449 : i32 to index
      %get3A_451 = arith.constant 16 : index
      %get3A_452 = tpu.vector_load %arg16[%get3A_450, %get3A_451] {strides = array<i32>} : memref<16x64xf32, #tpu.memory_space<vmem>>, vector<16xf32>,
      %add3A_453 = arith.addf %add3A_448, %get3A_452 : vector<16xf32>
      %get3A_454 = arith.constant 4 : i32
      %get3A_455 = arith.index_cast %get3A_454 : i32 to index
      %get3A_456 = arith.constant 16 : index
      %get3A_457 = tpu.vector_load %arg16[%get3A_455, %get3A_456] {strides = array<i32>} : memref<16x64xf32, #tpu.memory_space<vmem>>, vector<16xf32>,
      %add3A_458 = arith.addf %add3A_453, %get3A_457 : vector<16xf32>
      %get3A_459 = arith.constant 5 : i32
      %get3A_460 = arith.index_cast %get3A_459 : i32 to index
      %get3A_461 = arith.constant 16 : index
      %get3A_462 = tpu.vector_load %arg16[%get3A_460, %get3A_461] {strides = array<i32>} : memref<16x64xf32, #tpu.memory_space<vmem>>, vector<16xf32>,
      %add3A_463 = arith.addf %add3A_458, %get3A_462 : vector<16xf32>
      %get3A_464 = arith.constant 6 : i32
      %get3A_465 = arith.index_cast %get3A_464 : i32 to index
      %get3A_466 = arith.constant 16 : index
      %get3A_467 = tpu.vector_load %arg16[%get3A_465, %get3A_466] {strides = array<i32>} : memref<16x64xf32, #tpu.memory_space<vmem>>, vector<16xf32>,
      %add3A_468 = arith.addf %add3A_463, %get3A_467 : vector<16xf32>
      %get3A_469 = arith.constant 7 : i32
      %get3A_470 = arith.index_cast %get3A_469 : i32 to index
      %get3A_471 = arith.constant 16 : index
      %get3A_472 = tpu.vector_load %arg16[%get3A_470, %get3A_471] {strides = array<i32>} : memref<16x64xf32, #tpu.memory_space<vmem>>, vector<16xf32>,
      %add3A_473 = arith.addf %add3A_468, %get3A_472 : vector<16xf32>
      %get3A_474 = arith.constant 8 : i32
      %get3A_475 = arith.index_cast %get3A_474 : i32 to index
      %get3A_476 = arith.constant 16 : index
      %get3A_477 = tpu.vector_load %arg16[%get3A_475, %get3A_476] {strides = array<i32>} : memref<16x64xf32, #tpu.memory_space<vmem>>, vector<16xf32>,
      %add3A_478 = arith.addf %add3A_473, %get3A_477 : vector<16xf32>
      %get3A_479 = arith.constant 9 : i32
      %get3A_480 = arith.index_cast %get3A_479 : i32 to index
      %get3A_481 = arith.constant 16 : index
      %get3A_482 = tpu.vector_load %arg16[%get3A_480, %get3A_481] {strides = array<i32>} : memref<16x64xf32, #tpu.memory_space<vmem>>, vector<16xf32>,
      %add3A_483 = arith.addf %add3A_478, %get3A_482 : vector<16xf32>
      %get3A_484 = arith.constant 10 : i32
      %get3A_485 = arith.index_cast %get3A_484 : i32 to index
      %get3A_486 = arith.constant 16 : index
      %get3A_487 = tpu.vector_load %arg16[%get3A_485, %get3A_486] {strides = array<i32>} : memref<16x64xf32, #tpu.memory_space<vmem>>, vector<16xf32>,
      %add3A_488 = arith.addf %add3A_483, %get3A_487 : vector<16xf32>
      %get3A_489 = arith.constant 11 : i32
      %get3A_490 = arith.index_cast %get3A_489 : i32 to index
      %get3A_491 = arith.constant 16 : index
      %get3A_492 = tpu.vector_load %arg16[%get3A_490, %get3A_491] {strides = array<i32>} : memref<16x64xf32, #tpu.memory_space<vmem>>, vector<16xf32>,
      %add3A_493 = arith.addf %add3A_488, %get3A_492 : vector<16xf32>
      %get3A_494 = arith.constant 12 : i32
      %get3A_495 = arith.index_cast %get3A_494 : i32 to index
      %get3A_496 = arith.constant 16 : index
      %get3A_497 = tpu.vector_load %arg16[%get3A_495, %get3A_496] {strides = array<i32>} : memref<16x64xf32, #tpu.memory_space<vmem>>, vector<16xf32>,
      %add3A_498 = arith.addf %add3A_493, %get3A_497 : vector<16xf32>
      %get3A_499 = arith.constant 13 : i32
      %get3A_500 = arith.index_cast %get3A_499 : i32 to index
      %get3A_501 = arith.constant 16 : index
      %get3A_502 = tpu.vector_load %arg16[%get3A_500, %get3A_501] {strides = array<i32>} : memref<16x64xf32, #tpu.memory_space<vmem>>, vector<16xf32>,
      %add3A_503 = arith.addf %add3A_498, %get3A_502 : vector<16xf32>
      %get3A_504 = arith.constant 14 : i32
      %get3A_505 = arith.index_cast %get3A_504 : i32 to index
      %get3A_506 = arith.constant 16 : index
      %get3A_507 = tpu.vector_load %arg16[%get3A_505, %get3A_506] {strides = array<i32>} : memref<16x64xf32, #tpu.memory_space<vmem>>, vector<16xf32>,
      %add3A_508 = arith.addf %add3A_503, %get3A_507 : vector<16xf32>
      %get3A_509 = arith.constant 15 : i32
      %get3A_510 = arith.index_cast %get3A_509 : i32 to index
      %get3A_511 = arith.constant 16 : index
      %get3A_512 = tpu.vector_load %arg16[%get3A_510, %get3A_511] {strides = array<i32>} : memref<16x64xf32, #tpu.memory_space<vmem>>, vector<16xf32>,
      %add3A_513 = arith.addf %add3A_508, %get3A_512 : vector<16xf32>
      %swap3A_514 = arith.constant 16 : index
      %swap3A_515 = tpu.vector_load %arg15[%swap3A_514] {strides = array<i32>} : memref<64xf32, #tpu.memory_space<vmem>>, vector<16xf32>,
      tpu.vector_store %arg15[%swap3A_514], %add3A_513 {strides = array<i32>} : memref<64xf32, #tpu.memory_space<vmem>>, vector<16xf32>,
      %get3A_516 = arith.constant 32 : index
      %get3A_517 = tpu.vector_load %arg17[%get3A_516] {strides = array<i32>} : memref<64xf32, #tpu.memory_space<vmem>>, vector<16xf32>,
      %get3A_518 = arith.constant 0 : i32
      %get3A_519 = arith.index_cast %get3A_518 : i32 to index
      %get3A_520 = arith.constant 32 : index
      %get3A_521 = tpu.vector_load %arg16[%get3A_519, %get3A_520] {strides = array<i32>} : memref<16x64xf32, #tpu.memory_space<vmem>>, vector<16xf32>,
      %add3A_522 = arith.addf %get3A_517, %get3A_521 : vector<16xf32>
      %get3A_523 = arith.constant 1 : i32
      %get3A_524 = arith.index_cast %get3A_523 : i32 to index
      %get3A_525 = arith.constant 32 : index
      %get3A_526 = tpu.vector_load %arg16[%get3A_524, %get3A_525] {strides = array<i32>} : memref<16x64xf32, #tpu.memory_space<vmem>>, vector<16xf32>,
      %add3A_527 = arith.addf %add3A_522, %get3A_526 : vector<16xf32>
      %get3A_528 = arith.constant 2 : i32
      %get3A_529 = arith.index_cast %get3A_528 : i32 to index
      %get3A_530 = arith.constant 32 : index
      %get3A_531 = tpu.vector_load %arg16[%get3A_529, %get3A_530] {strides = array<i32>} : memref<16x64xf32, #tpu.memory_space<vmem>>, vector<16xf32>,
      %add3A_532 = arith.addf %add3A_527, %get3A_531 : vector<16xf32>
      %get3A_533 = arith.constant 3 : i32
      %get3A_534 = arith.index_cast %get3A_533 : i32 to index
      %get3A_535 = arith.constant 32 : index
      %get3A_536 = tpu.vector_load %arg16[%get3A_534, %get3A_535] {strides = array<i32>} : memref<16x64xf32, #tpu.memory_space<vmem>>, vector<16xf32>,
      %add3A_537 = arith.addf %add3A_532, %get3A_536 : vector<16xf32>
      %get3A_538 = arith.constant 4 : i32
      %get3A_539 = arith.index_cast %get3A_538 : i32 to index
      %get3A_540 = arith.constant 32 : index
      %get3A_541 = tpu.vector_load %arg16[%get3A_539, %get3A_540] {strides = array<i32>} : memref<16x64xf32, #tpu.memory_space<vmem>>, vector<16xf32>,
      %add3A_542 = arith.addf %add3A_537, %get3A_541 : vector<16xf32>
      %get3A_543 = arith.constant 5 : i32
      %get3A_544 = arith.index_cast %get3A_543 : i32 to index
      %get3A_545 = arith.constant 32 : index
      %get3A_546 = tpu.vector_load %arg16[%get3A_544, %get3A_545] {strides = array<i32>} : memref<16x64xf32, #tpu.memory_space<vmem>>, vector<16xf32>,
      %add3A_547 = arith.addf %add3A_542, %get3A_546 : vector<16xf32>
      %get3A_548 = arith.constant 6 : i32
      %get3A_549 = arith.index_cast %get3A_548 : i32 to index
      %get3A_550 = arith.constant 32 : index
      %get3A_551 = tpu.vector_load %arg16[%get3A_549, %get3A_550] {strides = array<i32>} : memref<16x64xf32, #tpu.memory_space<vmem>>, vector<16xf32>,
      %add3A_552 = arith.addf %add3A_547, %get3A_551 : vector<16xf32>
      %get3A_553 = arith.constant 7 : i32
      %get3A_554 = arith.index_cast %get3A_553 : i32 to index
      %get3A_555 = arith.constant 32 : index
      %get3A_556 = tpu.vector_load %arg16[%get3A_554, %get3A_555] {strides = array<i32>} : memref<16x64xf32, #tpu.memory_space<vmem>>, vector<16xf32>,
      %add3A_557 = arith.addf %add3A_552, %get3A_556 : vector<16xf32>
      %get3A_558 = arith.constant 8 : i32
      %get3A_559 = arith.index_cast %get3A_558 : i32 to index
      %get3A_560 = arith.constant 32 : index
      %get3A_561 = tpu.vector_load %arg16[%get3A_559, %get3A_560] {strides = array<i32>} : memref<16x64xf32, #tpu.memory_space<vmem>>, vector<16xf32>,
      %add3A_562 = arith.addf %add3A_557, %get3A_561 : vector<16xf32>
      %get3A_563 = arith.constant 9 : i32
      %get3A_564 = arith.index_cast %get3A_563 : i32 to index
      %get3A_565 = arith.constant 32 : index
      %get3A_566 = tpu.vector_load %arg16[%get3A_564, %get3A_565] {strides = array<i32>} : memref<16x64xf32, #tpu.memory_space<vmem>>, vector<16xf32>,
      %add3A_567 = arith.addf %add3A_562, %get3A_566 : vector<16xf32>
      %get3A_568 = arith.constant 10 : i32
      %get3A_569 = arith.index_cast %get3A_568 : i32 to index
      %get3A_570 = arith.constant 32 : index
      %get3A_571 = tpu.vector_load %arg16[%get3A_569, %get3A_570] {strides = array<i32>} : memref<16x64xf32, #tpu.memory_space<vmem>>, vector<16xf32>,
      %add3A_572 = arith.addf %add3A_567, %get3A_571 : vector<16xf32>
      %get3A_573 = arith.constant 11 : i32
      %get3A_574 = arith.index_cast %get3A_573 : i32 to index
      %get3A_575 = arith.constant 32 : index
      %get3A_576 = tpu.vector_load %arg16[%get3A_574, %get3A_575] {strides = array<i32>} : memref<16x64xf32, #tpu.memory_space<vmem>>, vector<16xf32>,
      %add3A_577 = arith.addf %add3A_572, %get3A_576 : vector<16xf32>
      %get3A_578 = arith.constant 12 : i32
      %get3A_579 = arith.index_cast %get3A_578 : i32 to index
      %get3A_580 = arith.constant 32 : index
      %get3A_581 = tpu.vector_load %arg16[%get3A_579, %get3A_580] {strides = array<i32>} : memref<16x64xf32, #tpu.memory_space<vmem>>, vector<16xf32>,
      %add3A_582 = arith.addf %add3A_577, %get3A_581 : vector<16xf32>
      %get3A_583 = arith.constant 13 : i32
      %get3A_584 = arith.index_cast %get3A_583 : i32 to index
      %get3A_585 = arith.constant 32 : index
      %get3A_586 = tpu.vector_load %arg16[%get3A_584, %get3A_585] {strides = array<i32>} : memref<16x64xf32, #tpu.memory_space<vmem>>, vector<16xf32>,
      %add3A_587 = arith.addf %add3A_582, %get3A_586 : vector<16xf32>
      %get3A_588 = arith.constant 14 : i32
      %get3A_589 = arith.index_cast %get3A_588 : i32 to index
      %get3A_590 = arith.constant 32 : index
      %get3A_591 = tpu.vector_load %arg16[%get3A_589, %get3A_590] {strides = array<i32>} : memref<16x64xf32, #tpu.memory_space<vmem>>, vector<16xf32>,
      %add3A_592 = arith.addf %add3A_587, %get3A_591 : vector<16xf32>
      %get3A_593 = arith.constant 15 : i32
      %get3A_594 = arith.index_cast %get3A_593 : i32 to index
      %get3A_595 = arith.constant 32 : index
      %get3A_596 = tpu.vector_load %arg16[%get3A_594, %get3A_595] {strides = array<i32>} : memref<16x64xf32, #tpu.memory_space<vmem>>, vector<16xf32>,
      %add3A_597 = arith.addf %add3A_592, %get3A_596 : vector<16xf32>
      %swap3A_598 = arith.constant 32 : index
      %swap3A_599 = tpu.vector_load %arg15[%swap3A_598] {strides = array<i32>} : memref<64xf32, #tpu.memory_space<vmem>>, vector<16xf32>,
      tpu.vector_store %arg15[%swap3A_598], %add3A_597 {strides = array<i32>} : memref<64xf32, #tpu.memory_space<vmem>>, vector<16xf32>,
      %get3A_600 = arith.constant 48 : index
      %get3A_601 = tpu.vector_load %arg17[%get3A_600] {strides = array<i32>} : memref<64xf32, #tpu.memory_space<vmem>>, vector<16xf32>,
      %get3A_602 = arith.constant 0 : i32
      %get3A_603 = arith.index_cast %get3A_602 : i32 to index
      %get3A_604 = arith.constant 48 : index
      %get3A_605 = tpu.vector_load %arg16[%get3A_603, %get3A_604] {strides = array<i32>} : memref<16x64xf32, #tpu.memory_space<vmem>>, vector<16xf32>,
      %add3A_606 = arith.addf %get3A_601, %get3A_605 : vector<16xf32>
      %get3A_607 = arith.constant 1 : i32
      %get3A_608 = arith.index_cast %get3A_607 : i32 to index
      %get3A_609 = arith.constant 48 : index
      %get3A_610 = tpu.vector_load %arg16[%get3A_608, %get3A_609] {strides = array<i32>} : memref<16x64xf32, #tpu.memory_space<vmem>>, vector<16xf32>,
      %add3A_611 = arith.addf %add3A_606, %get3A_610 : vector<16xf32>
      %get3A_612 = arith.constant 2 : i32
      %get3A_613 = arith.index_cast %get3A_612 : i32 to index
      %get3A_614 = arith.constant 48 : index
      %get3A_615 = tpu.vector_load %arg16[%get3A_613, %get3A_614] {strides = array<i32>} : memref<16x64xf32, #tpu.memory_space<vmem>>, vector<16xf32>,
      %add3A_616 = arith.addf %add3A_611, %get3A_615 : vector<16xf32>
      %get3A_617 = arith.constant 3 : i32
      %get3A_618 = arith.index_cast %get3A_617 : i32 to index
      %get3A_619 = arith.constant 48 : index
      %get3A_620 = tpu.vector_load %arg16[%get3A_618, %get3A_619] {strides = array<i32>} : memref<16x64xf32, #tpu.memory_space<vmem>>, vector<16xf32>,
      %add3A_621 = arith.addf %add3A_616, %get3A_620 : vector<16xf32>
      %get3A_622 = arith.constant 4 : i32
      %get3A_623 = arith.index_cast %get3A_622 : i32 to index
      %get3A_624 = arith.constant 48 : index
      %get3A_625 = tpu.vector_load %arg16[%get3A_623, %get3A_624] {strides = array<i32>} : memref<16x64xf32, #tpu.memory_space<vmem>>, vector<16xf32>,
      %add3A_626 = arith.addf %add3A_621, %get3A_625 : vector<16xf32>
      %get3A_627 = arith.constant 5 : i32
      %get3A_628 = arith.index_cast %get3A_627 : i32 to index
      %get3A_629 = arith.constant 48 : index
      %get3A_630 = tpu.vector_load %arg16[%get3A_628, %get3A_629] {strides = array<i32>} : memref<16x64xf32, #tpu.memory_space<vmem>>, vector<16xf32>,
      %add3A_631 = arith.addf %add3A_626, %get3A_630 : vector<16xf32>
      %get3A_632 = arith.constant 6 : i32
      %get3A_633 = arith.index_cast %get3A_632 : i32 to index
      %get3A_634 = arith.constant 48 : index
      %get3A_635 = tpu.vector_load %arg16[%get3A_633, %get3A_634] {strides = array<i32>} : memref<16x64xf32, #tpu.memory_space<vmem>>, vector<16xf32>,
      %add3A_636 = arith.addf %add3A_631, %get3A_635 : vector<16xf32>
      %get3A_637 = arith.constant 7 : i32
      %get3A_638 = arith.index_cast %get3A_637 : i32 to index
      %get3A_639 = arith.constant 48 : index
      %get3A_640 = tpu.vector_load %arg16[%get3A_638, %get3A_639] {strides = array<i32>} : memref<16x64xf32, #tpu.memory_space<vmem>>, vector<16xf32>,
      %add3A_641 = arith.addf %add3A_636, %get3A_640 : vector<16xf32>
      %get3A_642 = arith.constant 8 : i32
      %get3A_643 = arith.index_cast %get3A_642 : i32 to index
      %get3A_644 = arith.constant 48 : index
      %get3A_645 = tpu.vector_load %arg16[%get3A_643, %get3A_644] {strides = array<i32>} : memref<16x64xf32, #tpu.memory_space<vmem>>, vector<16xf32>,
      %add3A_646 = arith.addf %add3A_641, %get3A_645 : vector<16xf32>
      %get3A_647 = arith.constant 9 : i32
      %get3A_648 = arith.index_cast %get3A_647 : i32 to index
      %get3A_649 = arith.constant 48 : index
      %get3A_650 = tpu.vector_load %arg16[%get3A_648, %get3A_649] {strides = array<i32>} : memref<16x64xf32, #tpu.memory_space<vmem>>, vector<16xf32>,
      %add3A_651 = arith.addf %add3A_646, %get3A_650 : vector<16xf32>
      %get3A_652 = arith.constant 10 : i32
      %get3A_653 = arith.index_cast %get3A_652 : i32 to index
      %get3A_654 = arith.constant 48 : index
      %get3A_655 = tpu.vector_load %arg16[%get3A_653, %get3A_654] {strides = array<i32>} : memref<16x64xf32, #tpu.memory_space<vmem>>, vector<16xf32>,
      %add3A_656 = arith.addf %add3A_651, %get3A_655 : vector<16xf32>
      %get3A_657 = arith.constant 11 : i32
      %get3A_658 = arith.index_cast %get3A_657 : i32 to index
      %get3A_659 = arith.constant 48 : index
      %get3A_660 = tpu.vector_load %arg16[%get3A_658, %get3A_659] {strides = array<i32>} : memref<16x64xf32, #tpu.memory_space<vmem>>, vector<16xf32>,
      %add3A_661 = arith.addf %add3A_656, %get3A_660 : vector<16xf32>
      %get3A_662 = arith.constant 12 : i32
      %get3A_663 = arith.index_cast %get3A_662 : i32 to index
      %get3A_664 = arith.constant 48 : index
      %get3A_665 = tpu.vector_load %arg16[%get3A_663, %get3A_664] {strides = array<i32>} : memref<16x64xf32, #tpu.memory_space<vmem>>, vector<16xf32>,
      %add3A_666 = arith.addf %add3A_661, %get3A_665 : vector<16xf32>
      %get3A_667 = arith.constant 13 : i32
      %get3A_668 = arith.index_cast %get3A_667 : i32 to index
      %get3A_669 = arith.constant 48 : index
      %get3A_670 = tpu.vector_load %arg16[%get3A_668, %get3A_669] {strides = array<i32>} : memref<16x64xf32, #tpu.memory_space<vmem>>, vector<16xf32>,
      %add3A_671 = arith.addf %add3A_666, %get3A_670 : vector<16xf32>
      %get3A_672 = arith.constant 14 : i32
      %get3A_673 = arith.index_cast %get3A_672 : i32 to index
      %get3A_674 = arith.constant 48 : index
      %get3A_675 = tpu.vector_load %arg16[%get3A_673, %get3A_674] {strides = array<i32>} : memref<16x64xf32, #tpu.memory_space<vmem>>, vector<16xf32>,
      %add3A_676 = arith.addf %add3A_671, %get3A_675 : vector<16xf32>
      %get3A_677 = arith.constant 15 : i32
      %get3A_678 = arith.index_cast %get3A_677 : i32 to index
      %get3A_679 = arith.constant 48 : index
      %get3A_680 = tpu.vector_load %arg16[%get3A_678, %get3A_679] {strides = array<i32>} : memref<16x64xf32, #tpu.memory_space<vmem>>, vector<16xf32>,
      %add3A_681 = arith.addf %add3A_676, %get3A_680 : vector<16xf32>
      %swap3A_682 = arith.constant 48 : index
      %swap3A_683 = tpu.vector_load %arg15[%swap3A_682] {strides = array<i32>} : memref<64xf32, #tpu.memory_space<vmem>>, vector<16xf32>,
      tpu.vector_store %arg15[%swap3A_682], %add3A_681 {strides = array<i32>} : memref<64xf32, #tpu.memory_space<vmem>>, vector<16xf32>,
      "tpu.region"() ({
        %run_scoped3A = tpu.sem_alloc : memref<!tpu.dma_semaphore, #tpu.memory_space<semaphore_mem>>
        tpu.enqueue_dma source(%arg15 : memref<64xf32, #tpu.memory_space<vmem>>) target(%arg8 : memref<64xf32, #tpu.memory_space<hbm>>) target_semaphore(%run_scoped3A : memref<!tpu.dma_semaphore, #tpu.memory_space<semaphore_mem>>)
        tpu.wait_dma2 semaphore(%run_scoped3A : memref<!tpu.dma_semaphore, #tpu.memory_space<semaphore_mem>>) src(%arg15 : memref<64xf32, #tpu.memory_space<vmem>>) dst(%arg8 : memref<64xf32, #tpu.memory_space<hbm>>)
        tpu.yield
      }) : () -> ()
    } else {
    }
    return
  }
}

module attributes {stable_mosaic.version = 14 : i64} {
  func.func @_prep_body(%arg0: memref<10000x128xf32, #tpu.memory_space<vmem>>, %arg1: memref<1x10000xi32, #tpu.memory_space<vmem>>, %arg2: memref<1x64xf32, #tpu.memory_space<vmem>>, %arg3: memref<1x320000xf32, #tpu.memory_space<vmem>>, %arg4: memref<2500x2x128xi32, #tpu.memory_space<vmem>>, %arg5: memref<64x128xf32, #tpu.memory_space<vmem>>, %arg6: memref<1x64xf32, #tpu.memory_space<vmem>>, %arg7: memref<1x64xf32, #tpu.memory_space<vmem>>, %arg8: memref<1x1xf32, #tpu.memory_space<vmem>>, %arg9: memref<64x128xf32, #tpu.memory_space<vmem>>, %arg10: memref<1x64xf32, #tpu.memory_space<vmem>>, %arg11: memref<1x64xf32, #tpu.memory_space<vmem>>, %arg12: memref<1x1xf32, #tpu.memory_space<vmem>>, %arg13: memref<1x10240xf32, #tpu.memory_space<vmem>>, %arg14: memref<1x64xf32, #tpu.memory_space<vmem>>, %arg15: memref<1x320512xf32, #tpu.memory_space<vmem>>, %arg16: memref<2500x128xi32, #tpu.memory_space<vmem>>, %arg17: memref<2500x128xi32, #tpu.memory_space<vmem>>) attributes {dimension_semantics = [], scalar_prefetch = 0 : i64, scratch_operands = 0 : i64, tpu.core_type = #tpu.core_type<tc>} {
    %get3A = arith.constant 0 : index
    %get3A_0 = arith.constant 0 : index
    %get3A_1 = vector.load %arg3[%get3A, %get3A_0] : memref<1x320000xf32, #tpu.memory_space<vmem>>, vector<1x320000xf32>
    %div3A = arith.constant 1.000000e+00 : f32
    %div3A_2 = vector.broadcast %div3A : f32 to vector<1x320000xf32>
    %div3A_3 = arith.divf %div3A_2, %get3A_1 : vector<1x320000xf32>
    %broadcast_in_dim3A = arith.constant 0.000000e+00 : f32
    %broadcast_in_dim3A_4 = vector.broadcast %broadcast_in_dim3A : f32 to vector<1x512xf32>
    %concatenate3A = tpu.concatenate %div3A_3, %broadcast_in_dim3A_4 in 1 : vector<1x320000xf32>, vector<1x512xf32> -> vector<1x320512xf32>
    %swap3A = arith.constant 0 : index
    %swap3A_5 = arith.constant 0 : index
    %swap3A_6 = vector.load %arg15[%swap3A, %swap3A_5] : memref<1x320512xf32, #tpu.memory_space<vmem>>, vector<1x320512xf32>
    tpu.vector_store %arg15[%swap3A, %swap3A_5], %concatenate3A {strides = array<i32>} : memref<1x320512xf32, #tpu.memory_space<vmem>>, vector<1x320512xf32>,
    %get3A_7 = arith.constant 0 : index
    %get3A_8 = arith.constant 0 : index
    %get3A_9 = arith.constant 0 : index
    %get3A_10 = vector.load %arg4[%get3A_7, %get3A_8, %get3A_9] : memref<2500x2x128xi32, #tpu.memory_space<vmem>>, vector<2500x1x128xi32>
    %get3A_11 = vector.shape_cast %get3A_10 : vector<2500x1x128xi32> to vector<2500x128xi32>
    %swap3A_12 = arith.constant 0 : index
    %swap3A_13 = arith.constant 0 : index
    %swap3A_14 = vector.load %arg16[%swap3A_12, %swap3A_13] : memref<2500x128xi32, #tpu.memory_space<vmem>>, vector<2500x128xi32>
    tpu.vector_store %arg16[%swap3A_12, %swap3A_13], %get3A_11 {strides = array<i32>} : memref<2500x128xi32, #tpu.memory_space<vmem>>, vector<2500x128xi32>,
    %get3A_15 = arith.constant 0 : index
    %get3A_16 = arith.constant 1 : index
    %get3A_17 = arith.constant 0 : index
    %get3A_18 = vector.load %arg4[%get3A_15, %get3A_16, %get3A_17] : memref<2500x2x128xi32, #tpu.memory_space<vmem>>, vector<2500x1x128xi32>
    %get3A_19 = vector.shape_cast %get3A_18 : vector<2500x1x128xi32> to vector<2500x128xi32>
    %swap3A_20 = arith.constant 0 : index
    %swap3A_21 = arith.constant 0 : index
    %swap3A_22 = vector.load %arg17[%swap3A_20, %swap3A_21] : memref<2500x128xi32, #tpu.memory_space<vmem>>, vector<2500x128xi32>
    tpu.vector_store %arg17[%swap3A_20, %swap3A_21], %get3A_19 {strides = array<i32>} : memref<2500x128xi32, #tpu.memory_space<vmem>>, vector<2500x128xi32>,
    %get3A_23 = arith.constant 0 : index
    %get3A_24 = arith.constant 0 : index
    %get3A_25 = vector.load %arg0[%get3A_23, %get3A_24] : memref<10000x128xf32, #tpu.memory_space<vmem>>, vector<10000x128xf32>
    %get3A_26 = arith.constant 0 : index
    %get3A_27 = arith.constant 0 : index
    %get3A_28 = vector.load %arg5[%get3A_26, %get3A_27] : memref<64x128xf32, #tpu.memory_space<vmem>>, vector<64x128xf32>
    %get3A_29 = arith.constant 0 : index
    %get3A_30 = arith.constant 0 : index
    %get3A_31 = vector.load %arg9[%get3A_29, %get3A_30] : memref<64x128xf32, #tpu.memory_space<vmem>>, vector<64x128xf32>
    %concatenate3A_32 = tpu.concatenate %get3A_28, %get3A_31 in 0 : vector<64x128xf32>, vector<64x128xf32> -> vector<128x128xf32>
    %get3A_33 = arith.constant 0 : index
    %get3A_34 = arith.constant 0 : index
    %get3A_35 = vector.load %arg6[%get3A_33, %get3A_34] : memref<1x64xf32, #tpu.memory_space<vmem>>, vector<1x64xf32>
    %get3A_36 = arith.constant 0 : index
    %get3A_37 = arith.constant 0 : index
    %get3A_38 = vector.load %arg10[%get3A_36, %get3A_37] : memref<1x64xf32, #tpu.memory_space<vmem>>, vector<1x64xf32>
    %concatenate3A_39 = tpu.concatenate %get3A_35, %get3A_38 in 1 : vector<1x64xf32>, vector<1x64xf32> -> vector<1x128xf32>
    %dot_general3A = arith.constant dense<0.000000e+00> : vector<10000x128xf32>
    %dot_general3A_40 = tpu.matmul %get3A_25, %concatenate3A_32, %dot_general3A {dimension_numbers = #tpu.dot_dimension_numbers<[1], [1], [0], [0], [0, 0, 1, 0], [], []>, transpose_lhs_hint = false} : vector<10000x128xf32>, vector<128x128xf32>, vector<10000x128xf32> -> vector<10000x128xf32>
    %add3A = vector.broadcast %concatenate3A_39 : vector<1x128xf32> to vector<10000x128xf32>
    %add3A_41 = arith.addf %dot_general3A_40, %add3A : vector<10000x128xf32>
    %logistic3A = arith.negf %add3A_41 : vector<10000x128xf32>
    %logistic3A_42 = math.exp %logistic3A : vector<10000x128xf32>
    %logistic3A_43 = arith.constant 1.000000e+00 : f32
    %logistic3A_44 = vector.broadcast %logistic3A_43 : f32 to vector<10000x128xf32>
    %logistic3A_45 = arith.addf %logistic3A_44, %logistic3A_42 : vector<10000x128xf32>
    %logistic3A_46 = arith.divf %logistic3A_44, %logistic3A_45 : vector<10000x128xf32>
    %mul3A = arith.mulf %add3A_41, %logistic3A_46 : vector<10000x128xf32>
    %broadcast_in_dim3A_47 = arith.constant 0.000000e+00 : f32
    %broadcast_in_dim3A_48 = vector.broadcast %broadcast_in_dim3A_47 : f32 to vector<1x64xf32>
    %get3A_49 = arith.constant 0 : index
    %get3A_50 = arith.constant 0 : index
    %get3A_51 = vector.load %arg7[%get3A_49, %get3A_50] : memref<1x64xf32, #tpu.memory_space<vmem>>, vector<1x64xf32>
    %concatenate3A_52 = tpu.concatenate %get3A_51, %broadcast_in_dim3A_48 in 1 : vector<1x64xf32>, vector<1x64xf32> -> vector<1x128xf32>
    %get3A_53 = arith.constant 0 : index
    %get3A_54 = arith.constant 0 : index
    %get3A_55 = vector.load %arg11[%get3A_53, %get3A_54] : memref<1x64xf32, #tpu.memory_space<vmem>>, vector<1x64xf32>
    %concatenate3A_56 = tpu.concatenate %broadcast_in_dim3A_48, %get3A_55 in 1 : vector<1x64xf32>, vector<1x64xf32> -> vector<1x128xf32>
    %concatenate3A_57 = tpu.concatenate %concatenate3A_52, %concatenate3A_56 in 0 : vector<1x128xf32>, vector<1x128xf32> -> vector<2x128xf32>
    %get3A_58 = arith.constant 0 : index
    %get3A_59 = arith.constant 0 : index
    %get3A_60 = vector.load %arg8[%get3A_58, %get3A_59] : memref<1x1xf32, #tpu.memory_space<vmem>>, vector<1x1xf32>
    %get3A_61 = arith.constant 0 : index
    %get3A_62 = arith.constant 0 : index
    %get3A_63 = vector.load %arg12[%get3A_61, %get3A_62] : memref<1x1xf32, #tpu.memory_space<vmem>>, vector<1x1xf32>
    %concatenate3A_64 = tpu.concatenate %get3A_60, %get3A_63 in 1 : vector<1x1xf32>, vector<1x1xf32> -> vector<1x2xf32>
    %reshape3A = vector.shape_cast %concatenate3A_64 : vector<1x2xf32> to vector<2x1xf32>
    %dot_general3A_65 = arith.constant dense<0.000000e+00> : vector<2x10000xf32>
    %dot_general3A_66 = tpu.matmul %concatenate3A_57, %mul3A, %dot_general3A_65 {dimension_numbers = #tpu.dot_dimension_numbers<[1], [1], [0], [0], [0, 0, 1, 0], [], []>, transpose_lhs_hint = false} : vector<2x128xf32>, vector<10000x128xf32>, vector<2x10000xf32> -> vector<2x10000xf32>
    %add3A_67 = vector.broadcast %reshape3A : vector<2x1xf32> to vector<2x10000xf32>
    %add3A_68 = arith.addf %dot_general3A_66, %add3A_67 : vector<2x10000xf32>
    %slice3A = vector.extract_strided_slice %add3A_68 {offsets = [0, 0], sizes = [1, 10000], strides = [1, 1]} : vector<2x10000xf32> to vector<1x10000xf32>
    %slice3A_69 = vector.extract_strided_slice %add3A_68 {offsets = [1, 0], sizes = [1, 10000], strides = [1, 1]} : vector<2x10000xf32> to vector<1x10000xf32>
    %reduce_max3A = arith.constant dense<0xFF800000> : vector<1xf32>
    %reduce_max3A_70 = vector.multi_reduction <maximumf>, %slice3A_69, %reduce_max3A [1] : vector<1x10000xf32> to vector<1xf32>
    %broadcast_in_dim3A_71 = vector.shape_cast %reduce_max3A_70 : vector<1xf32> to vector<1x1xf32>
    %sub3A = vector.broadcast %broadcast_in_dim3A_71 : vector<1x1xf32> to vector<1x10000xf32>
    %sub3A_72 = arith.subf %slice3A_69, %sub3A : vector<1x10000xf32>
    %exp3A = math.exp %sub3A_72 : vector<1x10000xf32>
    %concatenate3A_73 = tpu.concatenate %slice3A, %exp3A in 0 : vector<1x10000xf32>, vector<1x10000xf32> -> vector<2x10000xf32>
    %get3A_74 = arith.constant 0 : index
    %get3A_75 = arith.constant 0 : index
    %get3A_76 = vector.load %arg1[%get3A_74, %get3A_75] : memref<1x10000xi32, #tpu.memory_space<vmem>>, vector<1x10000xi32>
    %iota3A = tpu.iota {dimensions = array<i32: 0>} : vector<64x10000xi32>
    %eq3A = vector.broadcast %get3A_76 : vector<1x10000xi32> to vector<64x10000xi32>
    %eq3A_77 = arith.cmpi eq, %eq3A, %iota3A : vector<64x10000xi32>
    %jit3A = arith.constant 1.000000e+00 : f32
    %jit3A_78 = arith.constant 0.000000e+00 : f32
    %broadcast_in_dim3A_79 = vector.broadcast %jit3A : f32 to vector<64x10000xf32>
    %broadcast_in_dim3A_80 = vector.broadcast %jit3A_78 : f32 to vector<64x10000xf32>
    %select_n3A = arith.select %eq3A_77, %broadcast_in_dim3A_79, %broadcast_in_dim3A_80 : vector<64x10000xi1>, vector<64x10000xf32>
    %dot_general3A_81 = arith.constant dense<0.000000e+00> : vector<2x64xf32>
    %dot_general3A_82 = tpu.matmul %concatenate3A_73, %select_n3A, %dot_general3A_81 {dimension_numbers = #tpu.dot_dimension_numbers<[1], [1], [0], [0], [0, 0, 1, 0], [], []>, transpose_lhs_hint = false} : vector<2x10000xf32>, vector<64x10000xf32>, vector<2x64xf32> -> vector<2x64xf32>
    %slice3A_83 = vector.extract_strided_slice %dot_general3A_82 {offsets = [1, 0], sizes = [1, 64], strides = [1, 1]} : vector<2x64xf32> to vector<1x64xf32>
    %get3A_84 = arith.constant 0 : index
    %get3A_85 = arith.constant 0 : index
    %get3A_86 = vector.load %arg2[%get3A_84, %get3A_85] : memref<1x64xf32, #tpu.memory_space<vmem>>, vector<1x64xf32>
    %add3A_87 = arith.constant 1.000000e-16 : f32
    %add3A_88 = vector.broadcast %add3A_87 : f32 to vector<1x64xf32>
    %add3A_89 = arith.addf %slice3A_83, %add3A_88 : vector<1x64xf32>
    %div3A_90 = arith.divf %get3A_86, %add3A_89 : vector<1x64xf32>
    %mul3A_91 = arith.constant 0.707106769 : f32
    %mul3A_92 = vector.broadcast %mul3A_91 : f32 to vector<1x64xf32>
    %mul3A_93 = arith.mulf %div3A_90, %mul3A_92 : vector<1x64xf32>
    %dot_general3A_94 = arith.constant dense<0.000000e+00> : vector<1x10000xf32>
    %dot_general3A_95 = tpu.matmul %mul3A_93, %select_n3A, %dot_general3A_94 {dimension_numbers = #tpu.dot_dimension_numbers<[1], [0], [0], [1], [0, 0, 1, 1], [], []>, transpose_lhs_hint = false} : vector<1x64xf32>, vector<64x10000xf32>, vector<1x10000xf32> -> vector<1x10000xf32>
    %mul3A_96 = arith.mulf %exp3A, %dot_general3A_95 : vector<1x10000xf32>
    %broadcast_in_dim3A_97 = arith.constant 0.000000e+00 : f32
    %broadcast_in_dim3A_98 = vector.broadcast %broadcast_in_dim3A_97 : f32 to vector<1x240xf32>
    %concatenate3A_99 = tpu.concatenate %mul3A_96, %broadcast_in_dim3A_98 in 1 : vector<1x10000xf32>, vector<1x240xf32> -> vector<1x10240xf32>
    %swap3A_100 = arith.constant 0 : index
    %swap3A_101 = arith.constant 0 : index
    %swap3A_102 = vector.load %arg13[%swap3A_100, %swap3A_101] : memref<1x10240xf32, #tpu.memory_space<vmem>>, vector<1x10240xf32>
    tpu.vector_store %arg13[%swap3A_100, %swap3A_101], %concatenate3A_99 {strides = array<i32>} : memref<1x10240xf32, #tpu.memory_space<vmem>>, vector<1x10240xf32>,
    %slice3A_103 = vector.extract_strided_slice %dot_general3A_82 {offsets = [0, 0], sizes = [1, 64], strides = [1, 1]} : vector<2x64xf32> to vector<1x64xf32>
    %swap3A_104 = arith.constant 0 : index
    %swap3A_105 = arith.constant 0 : index
    %swap3A_106 = vector.load %arg14[%swap3A_104, %swap3A_105] : memref<1x64xf32, #tpu.memory_space<vmem>>, vector<1x64xf32>
    tpu.vector_store %arg14[%swap3A_104, %swap3A_105], %slice3A_103 {strides = array<i32>} : memref<1x64xf32, #tpu.memory_space<vmem>>, vector<1x64xf32>,
    return
  }
}

</mosaic_0001>

<sc_bundles>
// kernel: kernel.4.cloned.1.call-start
scs
__scs_entry_jumppad:
0x0: {  	(pc) =	sbr.rel $0x88, $3  }
0x1: {  	(tag) =	ssettag $0x0;
	lr =	simm.s32 $0x1  }
0x2: {  	[smem:$0x3F94] =	sst lr;
	_ =	strace $0xD0000000  }
0x3: {  	_ = 	snop  }
0x4: {  	_ = 	snop  }
0x5: {  	_ = 	snop  }
0x6: {  	_ = 	snop  }
0x7: {  	_ = 	snop  }
__scs_overlays_trampoline_lowered:
0x8: {  	[smem:$0x3FA3] =	sst s0  }
0x9: {  	[smem:$0x3FA4] =	sst s1  }
0xa: {  	[smem:$0x3FA5] =	sst s2  }
0xb: {  	[smem:$0x3FA6] =	sst s3  }
0xc: {  	[smem:$0x3FA7] =	sst s4  }
0xd: {  	[smem:$0x3FA8] =	sst s5  }
0xe: {  	[smem:$0x3FA9] =	sst s6  }
0xf: {  	[smem:$0x3FAA] =	sst s7  }
0x10: {  	[smem:$0x3FAB] =	sst s8  }
0x11: {  	[smem:$0x3FAC] =	sst s9;
	s0 =	simm.s32 @!p0 $0x0  }
0x12: {  	s1 =	sld [smem:$0x3F92];
	s0 =	simm.s32 @p0 $0x1  }
0x13: {  	[smem:$0x3FAD] =	sst s0;
	s0 =	simm.s32 @!p1 $0x0  }
0x14: {  	s2 =	sld [smem:$0x3F91];
	s0 =	simm.s32 @p1 $0x1  }
0x15: {  	[smem:$0x3FAE] =	sst s0;
	s0 =	simm.s32 @!p2 $0x0  }
0x16: {  	s3 =	sld [smem:$0x3FDB];
	s0 =	simm.s32 @p2 $0x1  }
0x17: {  	s4 =	simm.s32 $0x1BF5;
	[smem:$0x3FB0] =	sst s0  }
0x18: {  	s0 =	sld [smem:$0x3F93];
	_ =	swait.ge [sflag:s4], $0x0  }
0x19: {  	s7 =	sld [smem:$0x3F94]  }
0x1a: {  	s8 =	sadd.s32 $0xFFFFE003, lr  }
0x1b: {  	s9 =	sadd.s32 $0xFFFFFEF7, lr;
	s5 =	simm.s32 $0xFFFFFFFF;
	p2 =	slt.u32 s8, $0xFFFFF086  }
0x1c: {  	p1 =	slt.u32 s9, $0xF7A;
	s5 =	simm.s32 @!p2 $0x0  }
0x1d: {  	s5 =	simm.s32 @p1 $0x1;
	p0 =	seq.s32 s7, s2  }
0x1e: {  	s7 =	smul.u32 @!p0 $0xF7A, s2;
	p2 =	seq.s32 @!p0 s5, $0x0  }
0x1f: {  	s9 =	smul.u32 $0xF7A, s1;
	s8 =	simm.s32 @!p0 $0x1BF5;
	p2 =	por !p2, p0  }
0x20: {  	[sflag:s8] =	ssyncset.s32 @!p0 $0xFFFFF086;
	s6 =	sadd.s32 @!p0 s3, s7;
	s7 =	simm.s32 @!p0 $0x108  }
0x21: {  	s3 =	sadd.s32 s3, s9;
	s6 =	sadd.s32 @!p0 $0x88, s6;
	s7 =	simm.s32 @p2 $0x1082  }
0x22: {  	[simem:s7], [sflag:s8] =	dma.local @!p0 [hbm:s6], $0xF7A  }
0x23: {  	s9 =	sor.u32 $0xD0000000, s2;
	s6 =	simm.s32 $0x108;
	_ =	swait.ge @!p0 [sflag:s8], $0x0  }
0x24: {  	s3 =	sadd.s32 $0x88, s3;
	s6 =	simm.s32 @!p1 $0x1082;
	[sflag:s4] =	ssyncset.s32 $0xFFFFF086  }
0x25: {  	[simem:s6], [sflag:s4] =	dma.local [hbm:s3], $0xF7A  }
0x26: {  	[smem:$0x3F94] =	sst s1;
	(tag) =	ssettag s2;
	_ =	strace s9  }
0x27: {  	s1 =	sld [smem:$0x3FA4]  }
0x28: {  	s2 =	sld [smem:$0x3FA5]  }
0x29: {  	s4 =	sld [smem:$0x3FA7]  }
0x2a: {  	p0 =	seq.s32 s5, $0x0;
	s5 =	sld [smem:$0x3FA8]  }
0x2b: {  	s6 =	sld [smem:$0x3FA9]  }
0x2c: {  	s7 =	sld [smem:$0x3FAA]  }
0x2d: {  	s3 =	simm.s32 $0x108;
	s8 =	sld [smem:$0x3FAB]  }
0x2e: {  	s3 =	simm.s32 @!p0 $0x1082;
	s9 =	sld [smem:$0x3FAC]  }
0x2f: {  	lr =	sadd.s32 s0, s3;
	s0 =	sld [smem:$0x3FA3]  }
0x30: {  	s3 =	sld [smem:$0x3FA6]  }
0x31: {  	[smem:$0x3FAF] =	sst s10  }
0x32: {  	s10 =	sld [smem:$0x3FAD];
	_ =	sdelay $0x3  }
0x33: {  	p0 =	seq.s32 s10, $0x1;
	s10 =	sld [smem:$0x3FAF];
	_ =	sdelay $0x3  }
0x34: {  	[smem:$0x3FAF] =	sst s10  }
0x35: {  	s10 =	sld [smem:$0x3FAE];
	_ =	sdelay $0x3  }
0x36: {  	p1 =	seq.s32 s10, $0x1;
	s10 =	sld [smem:$0x3FAF];
	_ =	sdelay $0x3  }
0x37: {  	[smem:$0x3FAF] =	sst s10  }
0x38: {  	s10 =	sld [smem:$0x3FB0]  }
0x39: {  	_ = 	snop;
	(pc) =	sbr.ind lr, $3  }
0x3a: {  	_ = 	snop  }
0x3b: {  	_ = 	snop  }
0x3c: {  	p2 =	seq.s32 s10, $0x1;
	s10 =	sld [smem:$0x3FAF]  }
0x3d: {  	_ =	shalt  }
0x3e: {  	_ =	shalt  }
0x3f: {  	_ =	shalt  }
0x40: {  	_ =	shalt  }
0x41: {  	_ =	shalt  }
0x42: {  	_ =	shalt  }
0x43: {  	_ =	shalt  }
0x44: {  	_ =	shalt  }
0x45: {  	_ =	shalt  }
0x46: {  	_ =	shalt  }
0x47: {  	_ =	shalt  }
0x48: {  	_ =	shalt  }
0x49: {  	_ =	shalt  }
0x4a: {  	_ =	shalt  }
0x4b: {  	_ =	shalt  }
0x4c: {  	_ =	shalt  }
0x4d: {  	_ =	shalt  }
0x4e: {  	_ =	shalt  }
0x4f: {  	_ =	shalt  }
0x50: {  	_ =	shalt  }
0x51: {  	_ =	shalt  }
0x52: {  	_ =	shalt  }
0x53: {  	_ =	shalt  }
0x54: {  	_ =	shalt  }
0x55: {  	_ =	shalt  }
0x56: {  	_ =	shalt  }
0x57: {  	_ =	shalt  }
0x58: {  	_ =	shalt  }
0x59: {  	_ =	shalt  }
0x5a: {  	_ =	shalt  }
0x5b: {  	_ =	shalt  }
0x5c: {  	_ =	shalt  }
0x5d: {  	_ =	shalt  }
0x5e: {  	_ =	shalt  }
0x5f: {  	_ =	shalt  }
0x60: {  	_ =	shalt  }
0x61: {  	_ =	shalt  }
0x62: {  	_ =	shalt  }
0x63: {  	_ =	shalt  }
0x64: {  	_ =	shalt  }
0x65: {  	_ =	shalt  }
0x66: {  	_ =	shalt  }
0x67: {  	_ =	shalt  }
0x68: {  	_ =	shalt  }
0x69: {  	_ =	shalt  }
0x6a: {  	_ =	shalt  }
0x6b: {  	_ =	shalt  }
0x6c: {  	_ =	shalt  }
0x6d: {  	_ =	shalt  }
0x6e: {  	_ =	shalt  }
0x6f: {  	_ =	shalt  }
0x70: {  	_ =	shalt  }
0x71: {  	_ =	shalt  }
0x72: {  	_ =	shalt  }
0x73: {  	_ =	shalt  }
0x74: {  	_ =	shalt  }
0x75: {  	_ =	shalt  }
0x76: {  	_ =	shalt  }
0x77: {  	_ =	shalt  }
0x78: {  	_ =	shalt  }
0x79: {  	_ =	shalt  }
0x7a: {  	_ =	shalt  }
0x7b: {  	_ =	shalt  }
0x7c: {  	_ =	shalt  }
0x7d: {  	_ =	shalt  }
0x7e: {  	_ =	shalt  }
0x7f: {  	_ =	shalt  }
0x80: {  	_ =	shalt  }
0x81: {  	_ =	shalt  }
0x82: {  	_ =	shalt  }
0x83: {  	_ =	shalt  }
0x84: {  	_ =	shalt  }
0x85: {  	_ =	shalt  }
0x86: {  	_ =	shalt  }
0x87: {  	_ =	shalt  }
.Lfunc_end0:
.L_simem_size_0:
called_computation_lowered:
.L_overlay_start_0:
0x88: {  	s0 =	sld [smem:$0x3FD9]  }
0x89: {  	s1 =	sld [smem:$0x3FFE];
	_ =	sdelay $0x3  }
0x8a: {  	s0 =	sadd.s32 s1, s0  }
0x8b: {  	[smem:$0x3FBB] =	sst s0  }
0x8c: {  	_ = 	snop  }
0x8d: {  	s0 =	sld [smem:$0x3FC5]  }
0x8e: {  	s16 =	sld [smem:$0x3FD0];
	(tm) =	ssettm $0x1  }
0x8f: {  	s2 =	sld [smem:$0x3FFB];
	_ =	sdelay $0x3  }
0x90: {  	_ =	strace s2  }
0x91: {  	s2 =	sld [smem:$0x3FFC];
	_ =	sdelay $0x3  }
0x92: {  	_ =	strace s2  }
0x93: {  	s2 =	sld [smem:$0x3FFD];
	_ =	sdelay $0x3  }
0x94: {  	_ =	strace s2  }
0x95: {  	_ =	strace $0x8FFFFFFF  }
0x96: {  	s17 =	sld [smem:$0x3FDB];
	_ =	sdelay $0x1  }
0x97: {  	s3 =	simm.s32 $_scs_section_size  }
0x98: {  	s4 =	simm.s32 $_size__tile_overlayer_lowered;
	s5 =	simm.s32 $_tile_overlayer_lowered  }
0x99: {  	s20 =	simm.s32 $0x1BFF;
	s19 =	sshll.u32 s5, $0x1;
	s2 =	sadd.s32 s3, s17  }
0x9a: {  	s6 =	simm.s32 $0x0;
	s18 =	sshll.u32 s4, $0x1;
	s4 =	sadd.s32 s19, s2  }
0x9b: {  	[timem:s6], [sflag:s20] =	dma.local [hbm:s4], s18  }
0x9c: {  	_ =	swait.ge [sflag:s20], s18  }
0x9d: {  	s3 =	ssub.s32 $0x0, s18;
	[sflag:s20] =	ssyncset.done $0x0  }
0x9e: {  	[sflag:s20] =	ssyncadd.s32 s3;
	_ =	sdelay $0x1  }
0x9f: {  	s21 =	simm.s32 $0x1B8B  }
0xa0: {  	_ =	swait.ge [sflag:s21], $0x1  }
0xa1: {  	[sflag:s21] =	ssyncset.done $0x0  }
0xa2: {  	s23 =	simm.s32 $0x1B8E;
	s22 =	sld [smem:$0x3FFE];
	[sflag:s21] =	ssyncadd.s32 $0xFFFFFFFF  }
0xa3: {  	s24 =	simm.s32 $execute0_lowered;
	[smem:$0x3FD2] =	sst s23  }
0xa4: {  	s4 =	sshll.u32 s24, $0x1;
	_ =	strace $0x80000046;
	[dreg:$0x1] =	wrdreg $0xFFFFFFFF  }
0xa5: {  	s25 =	simm.s32 $_size_execute0_lowered;
	s2 =	sadd.s32 s2, s4;
	[dreg:$0x0] =	wrdreg $0x0  }
0xa6: {  	s4 =	sshll.u32 s25, $0x1;
	[dreg:$0x2] =	wrdreg s2  }
0xa7: {  	[dreg:$0x3] =	wrdreg s4  }
0xa8: {  	[dreg:$0x4] =	wrdreg $0xC0  }
0xa9: {  	_ =	task [dreg:s6], $0x5FFFF  }
0xaa: {  	[dreg:$0x1] =	wrdreg $0xFFFFFFFF  }
0xab: {  	[dreg:$0x0] =	wrdreg $0x60  }
0xac: {  	[dreg:$0x2] =	wrdreg s22  }
0xad: {  	[dreg:$0x3] =	wrdreg s0  }
0xae: {  	[dreg:$0x4] =	wrdreg s16  }
0xaf: {  	[dreg:$0x5] =	wrdreg $0x147800  }
0xb0: {  	[dreg:$0x6] =	wrdreg $0x9  }
0xb1: {  	_ =	task.clear_ibuf [dreg:s6], $0x7FFFF;
	_ =	strace $0x90000046  }
0xb2: {  	s26 =	simm.s32 $0x9;
	_ =	strace $0x80000048  }
0xb3: {  	_ =	swait.ge [sflag:s26], $0x1  }
0xb4: {  	[sflag:s26] =	ssyncadd.s32 $0xFFFFFFFF  }
0xb5: {  	_ =	strace $0x90000048  }
0xb6: {  	_ =	sfence  }
0xb7: {  	s28 =	sld [smem:$0x0];
	_ =	sdelay $0x1  }
0xb8: {  	s29 =	srdreg.scid  }
0xb9: {  	s30 =	sshll.u32 s29, $0xD;
	s31 =	sshrl.u32 s29, $0x2  }
0xba: {  	s1 =	sand.u32 $0x1, s29;
	s2 =	sand.u32 $0x4000, s30;
	s0 =	sadd.s32 s31, s28  }
0xbb: {  	s1 =	sor.u32 s2, s1;
	s0 =	sshll.u32 s0, $0x11  }
0xbc: {  	s0 =	sor.u32 s0, s1  }
0xbd: {  	s0 =	sadd.s32 $0x8F2B, s0  }
0xbe: {  	[sflag:s0] =	ssyncadd.remote.s32 $0x1  }
0xbf: {  	_ =	sfence.sel $0xFFFF  }
0xc0: {  	[dreg:$0x0] =	wrdreg $0xFFFFFFFF;
	(pc) =	sbr.abs _section_cstart, $3  }
0xc1: {  	[dreg:$0x1] =	wrdreg $0xFFFFFFFF  }
0xc2: {  	_ =	task.clear_ibuf [dreg:s6], $0x2FFFF;
	_ =	strace $0x9FFFFFFF  }
0xc3: {  	(tm) =	ssettm $0x7FFFFFFF  }
tec
execute0_lowered:
.L_overlay_start_1:
0x0: {  	(tag) =	ssettag $0x1  }
0x1: {  	s6 =	rddreg [dreg:$0x0]  }
0x2: {  	s7 =	rddreg [dreg:$0x1]  }
0x3: {  	s1 =	rddreg [dreg:$0x2]  }
0x4: {  	s2 =	rddreg [dreg:$0x3]  }
0x5: {  	s0 =	rddreg [dreg:$0x4];
	s4 =	simm.s32 $0x0  }
0x6: {  	s3 =	stileid.u32;
	[smem:$0x7FF] =	sst s4  }
0x7: {  	s5 =	sadd.s32 $0x1FE00, s6;
	s8 =	smul.u32 $0x9C4, s3;
	_ =	strace $0x80000047  }
0x8: {  	[tilespmem:s4], [sflag:$0x1] =	stream.linear.gather [hbm4b:s5+s4], $0x2710, $0x38;
	[tilespmem:$0x147C0] =	vst v63  }
0x9: {  	s8 =	sadd.s32 s8, s6;
	s5 =	simm.s32 $0x2780  }
0xa: {  	[tilespmem:s5], [sflag:$0x2] =	stream.linear.gather [hbm4b:s7+s4], $0x2780, $0x38;
	[tilespmem:$0x147C0] =	vst v63  }
0xb: {  	s9 =	simm.s32 $0x4F00;
	s20 =	sadd.s32 $0xC200, s8  }
0xc: {  	[tilespmem:s9], [sflag:$0x3] =	stream.linear.gather [hbm4b:s20+s4], $0x4E20, $0x38;
	[tilespmem:$0x147C0] =	vst v63  }
0xd: {  	s22 =	simm.s32 $0x9D80;
	s21 =	sadd.s32 $0x16000, s8  }
0xe: {  	[tilespmem:s22], [sflag:$0x4] =	stream.linear.gather [hbm4b:s21+s4], $0x4E20, $0x38;
	[tilespmem:$0x147C0] =	vst v63  }
0xf: {  	s24 =	simm.s32 $0xEC00;
	s23 =	sadd.s32 $0x2400, s8  }
0x10: {  	v0 =	vimm.f32 $0.0e+00;
	[tilespmem:s24], [sflag:$0x5] =	stream.linear.gather [hbm4b:s23+s4], $0x4E20, $0x38;
	[tilespmem:$0x147C0] =	vst v63  }
0x11: {  	[tilespmem:$0x13A80] =	vst v0  }
0x12: {  	[tilespmem:$0x13A90] =	vst v0  }
0x13: {  	[tilespmem:$0x13AA0] =	vst v0  }
0x14: {  	[tilespmem:$0x13AB0] =	vst v0  }
0x15: {  	[tilespmem:$0x13AC0] =	vst v0  }
0x16: {  	[tilespmem:$0x13AD0] =	vst v0  }
0x17: {  	[tilespmem:$0x13AE0] =	vst v0  }
0x18: {  	[tilespmem:$0x13AF0] =	vst v0  }
0x19: {  	[tilespmem:$0x13B00] =	vst v0  }
0x1a: {  	[tilespmem:$0x13B10] =	vst v0  }
0x1b: {  	[tilespmem:$0x13B20] =	vst v0  }
0x1c: {  	[tilespmem:$0x13B30] =	vst v0  }
0x1d: {  	[tilespmem:$0x13B40] =	vst v0  }
0x1e: {  	[tilespmem:$0x13B50] =	vst v0  }
0x1f: {  	[tilespmem:$0x13B60] =	vst v0  }
0x20: {  	[tilespmem:$0x13B70] =	vst v0  }
0x21: {  	[tilespmem:$0x13B80] =	vst v0  }
0x22: {  	[tilespmem:$0x13B90] =	vst v0  }
0x23: {  	[tilespmem:$0x13BA0] =	vst v0  }
0x24: {  	[tilespmem:$0x13BB0] =	vst v0  }
0x25: {  	[tilespmem:$0x13BC0] =	vst v0  }
0x26: {  	[tilespmem:$0x13BD0] =	vst v0  }
0x27: {  	[tilespmem:$0x13BE0] =	vst v0  }
0x28: {  	[tilespmem:$0x13BF0] =	vst v0  }
0x29: {  	[tilespmem:$0x13C00] =	vst v0  }
0x2a: {  	[tilespmem:$0x13C10] =	vst v0  }
0x2b: {  	[tilespmem:$0x13C20] =	vst v0  }
0x2c: {  	[tilespmem:$0x13C30] =	vst v0  }
0x2d: {  	[tilespmem:$0x13C40] =	vst v0  }
0x2e: {  	[tilespmem:$0x13C50] =	vst v0  }
0x2f: {  	[tilespmem:$0x13C60] =	vst v0  }
0x30: {  	[tilespmem:$0x13C70] =	vst v0  }
0x31: {  	[tilespmem:$0x13C80] =	vst v0  }
0x32: {  	[tilespmem:$0x13C90] =	vst v0  }
0x33: {  	[tilespmem:$0x13CA0] =	vst v0  }
0x34: {  	[tilespmem:$0x13CB0] =	vst v0  }
0x35: {  	[tilespmem:$0x13CC0] =	vst v0  }
0x36: {  	[tilespmem:$0x13CD0] =	vst v0  }
0x37: {  	[tilespmem:$0x13CE0] =	vst v0  }
0x38: {  	[tilespmem:$0x13CF0] =	vst v0  }
0x39: {  	[tilespmem:$0x13D00] =	vst v0  }
0x3a: {  	[tilespmem:$0x13D10] =	vst v0  }
0x3b: {  	[tilespmem:$0x13D20] =	vst v0  }
0x3c: {  	[tilespmem:$0x13D30] =	vst v0  }
0x3d: {  	[tilespmem:$0x13D40] =	vst v0  }
0x3e: {  	[tilespmem:$0x13D50] =	vst v0  }
0x3f: {  	[tilespmem:$0x13D60] =	vst v0  }
0x40: {  	[tilespmem:$0x13D70] =	vst v0  }
0x41: {  	[tilespmem:$0x13D80] =	vst v0  }
0x42: {  	[tilespmem:$0x13D90] =	vst v0  }
0x43: {  	[tilespmem:$0x13DA0] =	vst v0  }
0x44: {  	[tilespmem:$0x13DB0] =	vst v0  }
0x45: {  	[tilespmem:$0x13DC0] =	vst v0  }
0x46: {  	[tilespmem:$0x13DD0] =	vst v0  }
0x47: {  	[tilespmem:$0x13DE0] =	vst v0  }
0x48: {  	[tilespmem:$0x13DF0] =	vst v0  }
0x49: {  	[tilespmem:$0x13E00] =	vst v0  }
0x4a: {  	[tilespmem:$0x13E10] =	vst v0  }
0x4b: {  	[tilespmem:$0x13E20] =	vst v0  }
0x4c: {  	[tilespmem:$0x13E30] =	vst v0  }
0x4d: {  	[tilespmem:$0x13E40] =	vst v0  }
0x4e: {  	[tilespmem:$0x13E50] =	vst v0  }
0x4f: {  	[tilespmem:$0x13E60] =	vst v0  }
0x50: {  	s25 =	simm.s32 $0x1;
	[tilespmem:$0x13E70] =	vst v0  }
0x51: {  	_ =	swait.ge [sflag:s25], $0x2710  }
0x52: {  	[sflag:s25] =	ssyncset.done $0x0  }
0x53: {  	s26 =	simm.s32 $0x2;
	[sflag:s25] =	ssyncadd.s32 $0xFFFFD8F0  }
0x54: {  	_ =	swait.ge [sflag:s26], $0x2780  }
0x55: {  	[sflag:s26] =	ssyncset.done $0x0  }
0x56: {  	s28 =	simm.s32 $0x3;
	[sflag:s26] =	ssyncadd.s32 $0xFFFFD880  }
0x57: {  	_ =	swait.ge [sflag:s28], $0x4E20  }
0x58: {  	[sflag:s28] =	ssyncset.done $0x0  }
0x59: {  	s29 =	simm.s32 $0x4;
	[sflag:s28] =	ssyncadd.s32 $0xFFFFB1E0  }
0x5a: {  	_ =	swait.ge [sflag:s29], $0x4E20  }
0x5b: {  	[sflag:s29] =	ssyncset.done $0x0  }
0x5c: {  	s30 =	simm.s32 $0x5;
	[sflag:s29] =	ssyncadd.s32 $0xFFFFB1E0  }
0x5d: {  	_ =	swait.ge [sflag:s30], $0x4E20  }
0x5e: {  	[sflag:s30] =	ssyncset.done $0x0  }
0x5f: {  	s31 =	simm.s32 $0x4F50;
	[sflag:s30] =	ssyncadd.s32 $0xFFFFB1E0  }
0x60: {  	s7 =	simm.s32 $0x9DD0;
	v0 =	vld [tilespmem:s31+$0x40]  }
0x61: {  	v1 =	vld [tilespmem:s7+$0x40]  }
0x62: {  	s10 =	sand.u32 $0x7FE0, s4;
	v2 =	vld [tilespmem:s31+$0xFFFFFFC0]  }
0x63: {  	v3 =	vld [tilespmem:s10+$0x4F80]  }
0x64: {  	v4 =	vld [tilespmem:s31+$0xFFFFFFD0]  }
0x65: {  	v5 =	vld [tilespmem:s10+$0x9E00]  }
0x66: {  	v6 =	vld [tilespmem:s31+$0xFFFFFFE0]  }
0x67: {  	v7 =	vld [tilespmem:s31+$0xFFFFFFF0]  }
0x68: {  	s8 =	simm.s32 $0xEC50;
	v11 =	vld [tilespmem:s31+$0x0]  }
0x69: {  	v12 =	vld [tilespmem:s8+$0x40]  }
0x6a: {  	v13 =	vld [tilespmem:s10+$0xEC80]  }
0x6b: {  	v14 =	vld [tilespmem:s31+$0x10]  }
0x6c: {  	v15 =	vld [tilespmem:s31+$0x20]  }
0x6d: {  	v57 =	vld [tilespmem:s7+$0xFFFFFFB0]  }
0x6e: {  	v58 =	vld [tilespmem:s7+$0xFFFFFFC0]  }
0x6f: {  	v59 =	vld [tilespmem:s7+$0x0]  }
0x70: {  	v60 =	vld [tilespmem:s7+$0x10]  }
0x71: {  	v16 =	vld [tilespmem:s7+$0x20]  }
0x72: {  	v25 =	vld [tilespmem:s8+$0xFFFFFFB0]  }
0x73: {  	v26 =	vld [tilespmem:s8+$0xFFFFFFC0]  }
0x74: {  	v27 =	vld [tilespmem:s8+$0xFFFFFFD0]  }
0x75: {  	v28 =	vld [tilespmem:s8+$0xFFFFFFE0]  }
0x76: {  	v29 =	vld [tilespmem:s8+$0xFFFFFFF0]  }
0x77: {  	v30 =	vld [tilespmem:s8+$0x0]  }
0x78: {  	v61 =	vld [tilespmem:s8+$0x10]  }
0x79: {  	v8 =	vld.idx.msk [tilespmem:v0+s4+$0x0], $0xffff  }
0x7a: {  	v1 =	vld.idx.msk [tilespmem:v1+s4+$0x0], $0xffff  }
0x7b: {  	v9 =	vld.idx.msk [tilespmem:v0+s5+$0x0], $0xffff  }
0x7c: {  	v10 =	vld.idx.msk [tilespmem:v3+s4+$0x0], $0xffff  }
0x7d: {  	v3 =	vld.idx.msk [tilespmem:v3+s5+$0x0], $0xffff  }
0x7e: {  	v5 =	vld.idx.msk [tilespmem:v5+s4+$0x0], $0xffff  }
0x7f: {  	v18 =	vld.idx.msk [tilespmem:v2+s4+$0x0], $0xffff  }
0x80: {  	v19 =	vld.idx.msk [tilespmem:v4+s4+$0x0], $0xffff  }
0x81: {  	v20 =	vld.idx.msk [tilespmem:v6+s4+$0x0], $0xffff  }
0x82: {  	v21 =	vld.idx.msk [tilespmem:v7+s4+$0x0], $0xffff  }
0x83: {  	v22 =	vld.idx.msk [tilespmem:v11+s4+$0x0], $0xffff  }
0x84: {  	v23 =	vld.idx.msk [tilespmem:v14+s4+$0x0], $0xffff  }
0x85: {  	v0 =	vlaneseq.u32;
	v24 =	vld.idx.msk [tilespmem:v15+s4+$0x0], $0xffff  }
0x86: {  	v16 =	vld.idx.msk [tilespmem:v16+s4+$0x0], $0xffff;
	v0 =	vmul.u32 $0x40, v0  }
0x87: {  	v2 =	vld.idx.msk [tilespmem:v2+s5+$0x0], $0xffff  }
0x88: {  	v4 =	vld.idx.msk [tilespmem:v4+s5+$0x0], $0xffff;
	v9 =	vadd.s32 v0, v9  }
0x89: {  	v6 =	vld.idx.msk [tilespmem:v6+s5+$0x0], $0xffff;
	v3 =	vadd.s32 v0, v3;
	v1 =	vmul.f32 v1, v8  }
0x8a: {  	v7 =	vld.idx.msk [tilespmem:v7+s5+$0x0], $0xffff;
	v5 =	vmul.f32 v5, v10  }
0x8b: {  	v8 =	vld [tilespmem:s31+$0xFFFFFFB0];
	v1 =	vmul.f32 v1, v12  }
0x8c: {  	s9 =	simm.s32 $0x13A80;
	v10 =	vld.idx.msk [tilespmem:v57+s4+$0x0], $0xffff;
	v5 =	vmul.f32 v5, v13  }
0x8d: {  	[tilespmem:v9+s9+$0x0] =	vst.idx.add.f32.msk $0xffff, v1  }
0x8e: {  	[tilespmem:v3+s9+$0x0] =	vst.idx.add.f32.msk $0xffff, v5  }
0x8f: {  	v1 =	vld [tilespmem:s7+$0xFFFFFFD0]  }
0x90: {  	v3 =	vld [tilespmem:s7+$0xFFFFFFE0]  }
0x91: {  	v5 =	vld [tilespmem:s7+$0xFFFFFFF0]  }
0x92: {  	v12 =	vld.idx.msk [tilespmem:v58+s4+$0x0], $0xffff  }
0x93: {  	v13 =	vld.idx.msk [tilespmem:v60+s4+$0x0], $0xffff  }
0x94: {  	v17 =	vld.idx.msk [tilespmem:v8+s4+$0x0], $0xffff  }
0x95: {  	v8 =	vld.idx.msk [tilespmem:v8+s5+$0x0], $0xffff  }
0x96: {  	v9 =	vld.idx.msk [tilespmem:v59+s4+$0x0], $0xffff  }
0x97: {  	v1 =	vld.idx.msk [tilespmem:v1+s4+$0x0], $0xffff  }
0x98: {  	v3 =	vld.idx.msk [tilespmem:v3+s4+$0x0], $0xffff  }
0x99: {  	v2 =	vadd.s32 v0, v2;
	v12 =	vmul.f32 v12, v18;
	v5 =	vld.idx.msk [tilespmem:v5+s4+$0x0], $0xffff  }
0x9a: {  	v62 =	vld [tilespmem:s8+$0x20];
	v16 =	vmul.f32 v16, v24;
	v13 =	vmul.f32 v13, v23;
	v8 =	vadd.s32 v0, v8  }
0x9b: {  	v11 =	vld.idx.msk [tilespmem:v11+s5+$0x0], $0xffff;
	v4 =	vadd.s32 v0, v4;
	v12 =	vmul.f32 v12, v26;
	v10 =	vmul.f32 v10, v17  }
0x9c: {  	v15 =	vld.idx.msk [tilespmem:v15+s5+$0x0], $0xffff;
	v6 =	vadd.s32 v0, v6;
	v9 =	vmul.f32 v9, v22;
	v1 =	vmul.f32 v1, v19  }
0x9d: {  	v14 =	vld.idx.msk [tilespmem:v14+s5+$0x0], $0xffff;
	v7 =	vadd.s32 v0, v7;
	v10 =	vmul.f32 v10, v25;
	v3 =	vmul.f32 v3, v20  }
0x9e: {  	[tilespmem:v2+s9+$0x0] =	vst.idx.add.f32.msk $0xffff, v12;
	v5 =	vmul.f32 v5, v21;
	v19 =	vmul.f32 v1, v27  }
0x9f: {  	v2 =	vmul.f32 v13, v61;
	[tilespmem:v8+s9+$0x0] =	vst.idx.add.f32.msk $0xffff, v10;
	v8 =	vmul.f32 v3, v28  }
0xa0: {  	v63 =	vmul.f32 v5, v29;
	v1 =	vmul.f32 v9, v30;
	[tilespmem:v4+s9+$0x0] =	vst.idx.add.f32.msk $0xffff, v19  }
0xa1: {  	s11 =	simm.s32 $0x4FF0;
	v3 =	vmul.f32 v16, v62;
	v5 =	vadd.s32 v0, v15;
	[tilespmem:v6+s9+$0x0] =	vst.idx.add.f32.msk $0xffff, v8  }
0xa2: {  	s12 =	simm.s32 $0x0;
	s6 =	sadd.s32 $0x20400, s6;
	s10 =	simm.s32 $0x0;
	v4 =	vadd.s32 v0, v11;
	v6 =	vadd.s32 v0, v14;
	[tilespmem:v7+s9+$0x0] =	vst.idx.add.f32.msk $0xffff, v63  }
.LBB2_1:
0xa3: {  	v7 =	vld [tilespmem:s11+$0x40];
	s7 =	sadd.s32 $0xA0, s7  }
0xa4: {  	s12 =	sadd.s32 $0xA0, s12;
	v8 =	vld [tilespmem:s7+$0x40]  }
0xa5: {  	s13 =	sand.u32 $0x7FE0, s12;
	v9 =	vld [tilespmem:s11+$0xFFFFFFC0]  }
0xa6: {  	s10 =	sadd.s32 $0xA, s10;
	v10 =	vld [tilespmem:s13+$0x4F80]  }
0xa7: {  	p0 =	slt.u32 s10, $0x4D8;
	v11 =	vld [tilespmem:s11+$0xFFFFFFD0]  }
0xa8: {  	v12 =	vld [tilespmem:s13+$0x9E00]  }
0xa9: {  	v13 =	vld [tilespmem:s11+$0xFFFFFFE0]  }
0xaa: {  	v14 =	vld [tilespmem:s11+$0xFFFFFFF0]  }
0xab: {  	v15 =	vld.idx.msk [tilespmem:v7+s4+$0x0], $0xffff  }
0xac: {  	v8 =	vld.idx.msk [tilespmem:v8+s4+$0x0], $0xffff  }
0xad: {  	v7 =	vld.idx.msk [tilespmem:v7+s5+$0x0], $0xffff  }
0xae: {  	v16 =	vld.idx.msk [tilespmem:v10+s4+$0x0], $0xffff  }
0xaf: {  	v10 =	vld.idx.msk [tilespmem:v10+s5+$0x0], $0xffff  }
0xb0: {  	v12 =	vld.idx.msk [tilespmem:v12+s4+$0x0], $0xffff  }
0xb1: {  	s8 =	sadd.s32 $0xA0, s8;
	v17 =	vld [tilespmem:s11+$0x0]  }
0xb2: {  	v18 =	vld [tilespmem:s8+$0x40]  }
0xb3: {  	v19 =	vld [tilespmem:s13+$0xEC80]  }
0xb4: {  	v7 =	vadd.s32 v0, v7;
	v20 =	vld [tilespmem:s11+$0x10]  }
0xb5: {  	v8 =	vmul.f32 v8, v15;
	v10 =	vadd.s32 v0, v10;
	v21 =	vld [tilespmem:s11+$0x20]  }
0xb6: {  	v12 =	vmul.f32 v12, v16;
	v15 =	vld [tilespmem:s11+$0xFFFFFFB0]  }
0xb7: {  	v16 =	vld [tilespmem:s7+$0xFFFFFFB0];
	v8 =	vmul.f32 v8, v18  }
0xb8: {  	v18 =	vld [tilespmem:s7+$0xFFFFFFC0];
	v12 =	vmul.f32 v12, v19  }
0xb9: {  	[tilespmem:v7+s9+$0x0] =	vst.idx.add.f32.msk $0xffff, v8  }
0xba: {  	[tilespmem:v10+s9+$0x0] =	vst.idx.add.f32.msk $0xffff, v12  }
0xbb: {  	v7 =	vld [tilespmem:s7+$0xFFFFFFD0]  }
0xbc: {  	v8 =	vld [tilespmem:s7+$0xFFFFFFE0]  }
0xbd: {  	v10 =	vld [tilespmem:s7+$0xFFFFFFF0]  }
0xbe: {  	v12 =	vld [tilespmem:s7+$0x0]  }
0xbf: {  	v19 =	vld [tilespmem:s7+$0x10]  }
0xc0: {  	v22 =	vld [tilespmem:s7+$0x20]  }
0xc1: {  	v23 =	vld.idx.msk [tilespmem:v15+s4+$0x0], $0xffff  }
0xc2: {  	v16 =	vld.idx.msk [tilespmem:v16+s4+$0x0], $0xffff  }
0xc3: {  	v24 =	vld.idx.msk [tilespmem:v9+s4+$0x0], $0xffff  }
0xc4: {  	v18 =	vld.idx.msk [tilespmem:v18+s4+$0x0], $0xffff  }
0xc5: {  	v25 =	vld.idx.msk [tilespmem:v11+s4+$0x0], $0xffff  }
0xc6: {  	v7 =	vld.idx.msk [tilespmem:v7+s4+$0x0], $0xffff  }
0xc7: {  	v26 =	vld.idx.msk [tilespmem:v13+s4+$0x0], $0xffff  }
0xc8: {  	v16 =	vmul.f32 v16, v23;
	v8 =	vld.idx.msk [tilespmem:v8+s4+$0x0], $0xffff  }
0xc9: {  	v23 =	vld.idx.msk [tilespmem:v14+s4+$0x0], $0xffff  }
0xca: {  	v18 =	vmul.f32 v18, v24;
	v10 =	vld.idx.msk [tilespmem:v10+s4+$0x0], $0xffff  }
0xcb: {  	v24 =	vld.idx.msk [tilespmem:v17+s4+$0x0], $0xffff  }
0xcc: {  	v7 =	vmul.f32 v7, v25;
	v12 =	vld.idx.msk [tilespmem:v12+s4+$0x0], $0xffff  }
0xcd: {  	v25 =	vld.idx.msk [tilespmem:v20+s4+$0x0], $0xffff  }
0xce: {  	v8 =	vmul.f32 v8, v26;
	v19 =	vld.idx.msk [tilespmem:v19+s4+$0x0], $0xffff  }
0xcf: {  	v26 =	vld.idx.msk [tilespmem:v21+s4+$0x0], $0xffff  }
0xd0: {  	v10 =	vmul.f32 v10, v23;
	v22 =	vld.idx.msk [tilespmem:v22+s4+$0x0], $0xffff  }
0xd1: {  	v23 =	vld [tilespmem:s8+$0xFFFFFFB0]  }
0xd2: {  	v12 =	vmul.f32 v12, v24;
	v27 =	vld [tilespmem:s8+$0xFFFFFFC0]  }
0xd3: {  	v24 =	vld [tilespmem:s8+$0xFFFFFFD0]  }
0xd4: {  	v19 =	vmul.f32 v19, v25;
	v28 =	vld [tilespmem:s8+$0xFFFFFFE0]  }
0xd5: {  	v25 =	vld [tilespmem:s8+$0xFFFFFFF0]  }
0xd6: {  	v22 =	vmul.f32 v22, v26;
	v16 =	vmul.f32 v16, v23;
	v23 =	vld [tilespmem:s8+$0x0]  }
0xd7: {  	v18 =	vmul.f32 v18, v27;
	v26 =	vld [tilespmem:s8+$0x10]  }
0xd8: {  	v7 =	vmul.f32 v7, v24;
	v24 =	vld [tilespmem:s8+$0x20]  }
0xd9: {  	v15 =	vld.idx.msk [tilespmem:v15+s5+$0x0], $0xffff;
	v8 =	vmul.f32 v8, v28  }
0xda: {  	v9 =	vld.idx.msk [tilespmem:v9+s5+$0x0], $0xffff;
	v10 =	vmul.f32 v10, v25  }
0xdb: {  	v11 =	vld.idx.msk [tilespmem:v11+s5+$0x0], $0xffff;
	v12 =	vmul.f32 v12, v23  }
0xdc: {  	v13 =	vld.idx.msk [tilespmem:v13+s5+$0x0], $0xffff;
	v19 =	vmul.f32 v19, v26  }
0xdd: {  	v14 =	vld.idx.msk [tilespmem:v14+s5+$0x0], $0xffff;
	v22 =	vmul.f32 v22, v24  }
0xde: {  	v17 =	vld.idx.msk [tilespmem:v17+s5+$0x0], $0xffff  }
0xdf: {  	v15 =	vadd.s32 v0, v15;
	v20 =	vld.idx.msk [tilespmem:v20+s5+$0x0], $0xffff  }
0xe0: {  	v9 =	vadd.s32 v0, v9;
	v21 =	vld.idx.msk [tilespmem:v21+s5+$0x0], $0xffff  }
0xe1: {  	v11 =	vadd.s32 v0, v11;
	[tilespmem:v4+s9+$0x0] =	vst.idx.add.f32.msk $0xffff, v1;
	v1 =	vmov v12  }
0xe2: {  	v12 =	vadd.s32 v0, v13;
	[tilespmem:v6+s9+$0x0] =	vst.idx.add.f32.msk $0xffff, v2;
	v2 =	vmov v19  }
0xe3: {  	v13 =	vadd.s32 v0, v14;
	[tilespmem:v5+s9+$0x0] =	vst.idx.add.f32.msk $0xffff, v3;
	v3 =	vmov v22  }
.Ltmp0:
0xe4: {  	v4 =	vadd.s32 v0, v17;
	[tilespmem:v15+s9+$0x0] =	vst.idx.add.f32.msk $0xffff, v16;
	(pc) =	sbr.rel @p0 .LBB2_1-.Ltmp0, $4  }
0xe5: {  	v6 =	vadd.s32 v0, v20;
	[tilespmem:v9+s9+$0x0] =	vst.idx.add.f32.msk $0xffff, v18  }
0xe6: {  	v5 =	vadd.s32 v0, v21;
	[tilespmem:v11+s9+$0x0] =	vst.idx.add.f32.msk $0xffff, v7  }
0xe7: {  	[tilespmem:v12+s9+$0x0] =	vst.idx.add.f32.msk $0xffff, v8  }
0xe8: {  	s11 =	sadd.s32 $0xA0, s11;
	[tilespmem:v13+s9+$0x0] =	vst.idx.add.f32.msk $0xffff, v10  }
0xe9: {  	_ =	sdelay $0x3  }
0xea: {  	[tilespmem:v4+s9+$0x0] =	vst.idx.add.f32.msk $0xffff, v1  }
0xeb: {  	[tilespmem:v6+s9+$0x0] =	vst.idx.add.f32.msk $0xffff, v2  }
0xec: {  	[tilespmem:v5+s9+$0x0] =	vst.idx.add.f32.msk $0xffff, v3  }
0xed: {  	v0 =	vld [tilespmem:$0x13A80]  }
0xee: {  	v1 =	vld [tilespmem:$0x13AC0]  }
0xef: {  	v2 =	vld [tilespmem:$0x13B00]  }
0xf0: {  	v3 =	vld [tilespmem:$0x13B40]  }
0xf1: {  	v4 =	vld [tilespmem:$0x13B80]  }
0xf2: {  	v5 =	vld [tilespmem:$0x13BC0]  }
0xf3: {  	v6 =	vld [tilespmem:$0x13C00]  }
0xf4: {  	v7 =	vld [tilespmem:$0x13C40]  }
0xf5: {  	v8 =	vld [tilespmem:$0x13C80]  }
0xf6: {  	v9 =	vld [tilespmem:$0x13CC0]  }
0xf7: {  	v10 =	vld [tilespmem:$0x13D00]  }
0xf8: {  	v11 =	vld [tilespmem:$0x13D40]  }
0xf9: {  	v12 =	vld [tilespmem:$0x13D80]  }
0xfa: {  	v13 =	vld [tilespmem:$0x13DC0]  }
0xfb: {  	v14 =	vld [tilespmem:$0x13E00]  }
0xfc: {  	v15 =	vld [tilespmem:$0x13E40]  }
0xfd: {  	v16 =	vld [tilespmem:$0x13A90]  }
0xfe: {  	v17 =	vld [tilespmem:$0x13AD0]  }
0xff: {  	v18 =	vld [tilespmem:$0x13B10]  }
0x100: {  	v19 =	vld [tilespmem:$0x13B50]  }
0x101: {  	v20 =	vld [tilespmem:$0x13B90]  }
0x102: {  	v21 =	vld [tilespmem:$0x13BD0]  }
0x103: {  	v22 =	vld [tilespmem:$0x13C10]  }
0x104: {  	v23 =	vld [tilespmem:$0x13C50]  }
0x105: {  	v24 =	vld [tilespmem:$0x13C90]  }
0x106: {  	v25 =	vld [tilespmem:$0x13CD0]  }
0x107: {  	v26 =	vld [tilespmem:$0x13D10]  }
0x108: {  	v27 =	vld [tilespmem:$0x13D50]  }
0x109: {  	v28 =	vld [tilespmem:$0x13D90]  }
0x10a: {  	v29 =	vld [tilespmem:$0x13DD0]  }
0x10b: {  	v30 =	vld [tilespmem:$0x13E10]  }
0x10c: {  	v31 =	vld [tilespmem:$0x13E50]  }
0x10d: {  	v32 =	vld [tilespmem:$0x13AA0]  }
0x10e: {  	v33 =	vld [tilespmem:$0x13AE0]  }
0x10f: {  	v34 =	vld [tilespmem:$0x13AB0]  }
0x110: {  	v35 =	vld [tilespmem:$0x13AF0]  }
0x111: {  	v36 =	vld [tilespmem:$0x13B20]  }
0x112: {  	v59 =	vld [tilespmem:$0x13B30];
	v0 =	vadd.f32 v1, v0  }
0x113: {  	v60 =	vld [tilespmem:$0x13B60];
	v16 =	vadd.f32 v17, v16  }
0x114: {  	v62 =	vld [tilespmem:$0x13B70];
	v61 =	vadd.f32 v33, v32;
	v0 =	vadd.f32 v2, v0  }
0x115: {  	v37 =	vld [tilespmem:$0x13BA0];
	v63 =	vadd.f32 v35, v34;
	v16 =	vadd.f32 v18, v16  }
0x116: {  	v38 =	vld [tilespmem:$0x13BB0];
	v2 =	vadd.f32 v36, v61;
	v0 =	vadd.f32 v3, v0  }
0x117: {  	v39 =	vld [tilespmem:$0x13BE0];
	v1 =	vadd.f32 v59, v63;
	v16 =	vadd.f32 v19, v16  }
0x118: {  	v40 =	vld [tilespmem:$0x13BF0];
	v2 =	vadd.f32 v60, v2;
	v0 =	vadd.f32 v4, v0  }
0x119: {  	v41 =	vld [tilespmem:$0x13C20];
	v1 =	vadd.f32 v62, v1;
	v16 =	vadd.f32 v20, v16  }
0x11a: {  	v42 =	vld [tilespmem:$0x13C30];
	v2 =	vadd.f32 v37, v2;
	v0 =	vadd.f32 v5, v0  }
0x11b: {  	v43 =	vld [tilespmem:$0x13C60];
	v1 =	vadd.f32 v38, v1;
	v16 =	vadd.f32 v21, v16  }
0x11c: {  	v44 =	vld [tilespmem:$0x13C70];
	v2 =	vadd.f32 v39, v2;
	v0 =	vadd.f32 v6, v0  }
0x11d: {  	v45 =	vld [tilespmem:$0x13CA0];
	v1 =	vadd.f32 v40, v1;
	v16 =	vadd.f32 v22, v16  }
0x11e: {  	v46 =	vld [tilespmem:$0x13CB0];
	v2 =	vadd.f32 v41, v2;
	v0 =	vadd.f32 v7, v0  }
0x11f: {  	v47 =	vld [tilespmem:$0x13CE0];
	v1 =	vadd.f32 v42, v1;
	v16 =	vadd.f32 v23, v16  }
0x120: {  	v48 =	vld [tilespmem:$0x13CF0];
	v2 =	vadd.f32 v43, v2;
	v0 =	vadd.f32 v8, v0  }
0x121: {  	v50 =	vld [tilespmem:$0x13D20];
	v1 =	vadd.f32 v44, v1;
	v49 =	vadd.f32 v24, v16  }
0x122: {  	v51 =	vld [tilespmem:$0x13D30];
	v2 =	vadd.f32 v45, v2;
	v0 =	vadd.f32 v9, v0  }
0x123: {  	v52 =	vld [tilespmem:$0x13D60];
	v1 =	vadd.f32 v46, v1;
	v8 =	vadd.f32 v25, v49  }
0x124: {  	v53 =	vld [tilespmem:$0x13D70];
	v2 =	vadd.f32 v47, v2;
	v0 =	vadd.f32 v10, v0  }
0x125: {  	v54 =	vld [tilespmem:$0x13DA0];
	v1 =	vadd.f32 v48, v1;
	v8 =	vadd.f32 v26, v8  }
0x126: {  	v55 =	vld [tilespmem:$0x13DB0];
	v2 =	vadd.f32 v50, v2;
	v0 =	vadd.f32 v11, v0  }
0x127: {  	v56 =	vld [tilespmem:$0x13DE0];
	v1 =	vadd.f32 v51, v1;
	v8 =	vadd.f32 v27, v8  }
0x128: {  	v57 =	vld [tilespmem:$0x13DF0];
	v2 =	vadd.f32 v52, v2;
	v0 =	vadd.f32 v12, v0  }
0x129: {  	v58 =	vld [tilespmem:$0x13E20];
	v1 =	vadd.f32 v53, v1;
	v8 =	vadd.f32 v28, v8  }
0x12a: {  	v59 =	vld [tilespmem:$0x13E30];
	v2 =	vadd.f32 v54, v2;
	v0 =	vadd.f32 v13, v0  }
0x12b: {  	v60 =	vld [tilespmem:$0x13E60];
	v1 =	vadd.f32 v55, v1;
	v8 =	vadd.f32 v29, v8  }
0x12c: {  	v61 =	vld [tilespmem:$0x13E70];
	v2 =	vadd.f32 v56, v2;
	v0 =	vadd.f32 v14, v0  }
0x12d: {  	v1 =	vadd.f32 v57, v1;
	v8 =	vadd.f32 v30, v8  }
0x12e: {  	v2 =	vadd.f32 v58, v2;
	v0 =	vadd.f32 v15, v0  }
0x12f: {  	v1 =	vadd.f32 v59, v1;
	v62 =	vadd.f32 v31, v8  }
0x130: {  	v63 =	vadd.f32 v60, v2;
	[tilespmem:$0x13E80] =	vst v0  }
0x131: {  	v1 =	vadd.f32 v61, v1;
	[tilespmem:$0x13E90] =	vst v62  }
0x132: {  	s4 =	sshll.u32 s3, $0x7;
	[tilespmem:$0x13EA0] =	vst v63  }
0x133: {  	s5 =	simm.s32 $0x13E80;
	s4 =	sadd.s32 s4, s2;
	[tilespmem:$0x13EB0] =	vst v1  }
0x134: {  	[spmem:s4] =	stream.linear.scatter [tilespmem:s5], [sflag:$0x6], $0x80, $0x38;
	[tilespmem:$0x147C0] =	vst v63  }
0x135: {  	s4 =	simm.s32 $0x6  }
0x136: {  	_ =	swait.ge [sflag:s4], $0x80  }
0x137: {  	[sflag:s4] =	ssyncset.done $0x0  }
0x138: {  	[sflag:s4] =	ssyncadd.s32 $0xFFFFFF80  }
0x139: {  	p0 =	sne.s32 s3, $0x0;
	[bflag:$0x0] =	sbarrier.arrive $0xFFFF  }
0x13a: {  	_ =	sfence.sel @p0 $0x180000  }
0x13b: {  	[bflag:$0x0] =	sbarrier.arrive @p0 $0xFFFF  }
0x13c: {  	_ =	strace @p0 $0x90000047  }
0x13d: {  	[bflag:$0x2] =	sbarrier.arrive @p0 $0xFFFF  }
0x13e: {  	_ =	shalt @p0  }
.LBB2_3:
0x13f: {  	s3 =	simm.s32 $0x13F00  }
0x140: {  	[tilespmem:s3], [sflag:$0x6] =	stream.linear.gather [spmem:s2], $0x800, $0x38;
	[tilespmem:$0x147C0] =	vst v63  }
0x141: {  	_ =	swait.ge [sflag:s4], $0x800  }
0x142: {  	[sflag:s4] =	ssyncset.done $0x0  }
0x143: {  	s30 =	simm.s32 $0x0;
	s31 =	simm.s32 $0x14700;
	[sflag:s4] =	ssyncadd.s32 $0xFFFFF800  }
0x144: {  	[tilespmem:s31], [sflag:$0x6] =	stream.linear.gather [hbm4b:s6+s30], $0x80, $0x38;
	[tilespmem:$0x147C0] =	vst v63  }
0x145: {  	_ =	swait.ge [sflag:s4], $0x80  }
0x146: {  	[sflag:s4] =	ssyncset.done $0x0  }
0x147: {  	[sflag:s4] =	ssyncadd.s32 $0xFFFFFF80  }
0x148: {  	v0 =	vld [tilespmem:$0x14700]  }
0x149: {  	v1 =	vld [tilespmem:$0x13F00]  }
0x14a: {  	v2 =	vld [tilespmem:$0x13F80]  }
0x14b: {  	v3 =	vld [tilespmem:$0x14000]  }
0x14c: {  	v4 =	vld [tilespmem:$0x14080]  }
0x14d: {  	v5 =	vld [tilespmem:$0x14100]  }
0x14e: {  	v6 =	vld [tilespmem:$0x14180]  }
0x14f: {  	v7 =	vld [tilespmem:$0x14200]  }
0x150: {  	v8 =	vld [tilespmem:$0x14280]  }
0x151: {  	v9 =	vld [tilespmem:$0x14300]  }
0x152: {  	v10 =	vld [tilespmem:$0x14380]  }
0x153: {  	v11 =	vld [tilespmem:$0x14400]  }
0x154: {  	v12 =	vld [tilespmem:$0x14480]  }
0x155: {  	v13 =	vld [tilespmem:$0x14500]  }
0x156: {  	v14 =	vld [tilespmem:$0x14580]  }
0x157: {  	v15 =	vld [tilespmem:$0x14600]  }
0x158: {  	v16 =	vld [tilespmem:$0x14680]  }
0x159: {  	v17 =	vld [tilespmem:$0x14710]  }
0x15a: {  	v18 =	vld [tilespmem:$0x13F10]  }
0x15b: {  	v19 =	vld [tilespmem:$0x13F90]  }
0x15c: {  	v20 =	vld [tilespmem:$0x14010]  }
0x15d: {  	v21 =	vld [tilespmem:$0x14090]  }
0x15e: {  	v22 =	vld [tilespmem:$0x14110]  }
0x15f: {  	v23 =	vld [tilespmem:$0x14190]  }
0x160: {  	v24 =	vld [tilespmem:$0x14210]  }
0x161: {  	v25 =	vld [tilespmem:$0x14290]  }
0x162: {  	v26 =	vld [tilespmem:$0x14310]  }
0x163: {  	v27 =	vld [tilespmem:$0x14390]  }
0x164: {  	v28 =	vld [tilespmem:$0x14410]  }
0x165: {  	v29 =	vld [tilespmem:$0x14490]  }
0x166: {  	v30 =	vld [tilespmem:$0x14510]  }
0x167: {  	v31 =	vld [tilespmem:$0x14590]  }
0x168: {  	v32 =	vld [tilespmem:$0x14610]  }
0x169: {  	v33 =	vld [tilespmem:$0x14690]  }
0x16a: {  	v34 =	vld [tilespmem:$0x14720]  }
0x16b: {  	v35 =	vld [tilespmem:$0x13F20]  }
0x16c: {  	v36 =	vld [tilespmem:$0x14730]  }
0x16d: {  	v37 =	vld [tilespmem:$0x13F30]  }
0x16e: {  	v38 =	vld [tilespmem:$0x13FA0]  }
0x16f: {  	v58 =	vld [tilespmem:$0x13FB0];
	v0 =	vadd.f32 v1, v0  }
0x170: {  	v59 =	vld [tilespmem:$0x14020];
	v17 =	vadd.f32 v18, v17  }
0x171: {  	v61 =	vld [tilespmem:$0x14030];
	v60 =	vadd.f32 v35, v34;
	v0 =	vadd.f32 v2, v0  }
0x172: {  	v63 =	vld [tilespmem:$0x140A0];
	v62 =	vadd.f32 v37, v36;
	v17 =	vadd.f32 v19, v17  }
0x173: {  	v36 =	vld [tilespmem:$0x140B0];
	v2 =	vadd.f32 v38, v60;
	v0 =	vadd.f32 v3, v0  }
0x174: {  	v37 =	vld [tilespmem:$0x14120];
	v1 =	vadd.f32 v58, v62;
	v17 =	vadd.f32 v20, v17  }
0x175: {  	v38 =	vld [tilespmem:$0x14130];
	v2 =	vadd.f32 v59, v2;
	v0 =	vadd.f32 v4, v0  }
0x176: {  	v39 =	vld [tilespmem:$0x141A0];
	v1 =	vadd.f32 v61, v1;
	v17 =	vadd.f32 v21, v17  }
0x177: {  	v40 =	vld [tilespmem:$0x141B0];
	v2 =	vadd.f32 v63, v2;
	v0 =	vadd.f32 v5, v0  }
0x178: {  	v41 =	vld [tilespmem:$0x14220];
	v1 =	vadd.f32 v36, v1;
	v17 =	vadd.f32 v22, v17  }
0x179: {  	v42 =	vld [tilespmem:$0x14230];
	v2 =	vadd.f32 v37, v2;
	v0 =	vadd.f32 v6, v0  }
0x17a: {  	v43 =	vld [tilespmem:$0x142A0];
	v1 =	vadd.f32 v38, v1;
	v17 =	vadd.f32 v23, v17  }
0x17b: {  	v44 =	vld [tilespmem:$0x142B0];
	v2 =	vadd.f32 v39, v2;
	v0 =	vadd.f32 v7, v0  }
0x17c: {  	v45 =	vld [tilespmem:$0x14320];
	v1 =	vadd.f32 v40, v1;
	v17 =	vadd.f32 v24, v17  }
0x17d: {  	v46 =	vld [tilespmem:$0x14330];
	v2 =	vadd.f32 v41, v2;
	v0 =	vadd.f32 v8, v0  }
0x17e: {  	v48 =	vld [tilespmem:$0x143A0];
	v1 =	vadd.f32 v42, v1;
	v47 =	vadd.f32 v25, v17  }
0x17f: {  	v49 =	vld [tilespmem:$0x143B0];
	v2 =	vadd.f32 v43, v2;
	v0 =	vadd.f32 v9, v0  }
0x180: {  	v50 =	vld [tilespmem:$0x14420];
	v1 =	vadd.f32 v44, v1;
	v8 =	vadd.f32 v26, v47  }
0x181: {  	v51 =	vld [tilespmem:$0x14430];
	v2 =	vadd.f32 v45, v2;
	v0 =	vadd.f32 v10, v0  }
0x182: {  	v52 =	vld [tilespmem:$0x144A0];
	v1 =	vadd.f32 v46, v1;
	v8 =	vadd.f32 v27, v8  }
0x183: {  	v53 =	vld [tilespmem:$0x144B0];
	v2 =	vadd.f32 v48, v2;
	v0 =	vadd.f32 v11, v0  }
0x184: {  	v54 =	vld [tilespmem:$0x14520];
	v1 =	vadd.f32 v49, v1;
	v8 =	vadd.f32 v28, v8  }
0x185: {  	v55 =	vld [tilespmem:$0x14530];
	v2 =	vadd.f32 v50, v2;
	v0 =	vadd.f32 v12, v0  }
0x186: {  	v56 =	vld [tilespmem:$0x145A0];
	v1 =	vadd.f32 v51, v1;
	v8 =	vadd.f32 v29, v8  }
0x187: {  	v57 =	vld [tilespmem:$0x145B0];
	v2 =	vadd.f32 v52, v2;
	v0 =	vadd.f32 v13, v0  }
0x188: {  	v58 =	vld [tilespmem:$0x14620];
	v1 =	vadd.f32 v53, v1;
	v8 =	vadd.f32 v30, v8  }
0x189: {  	v59 =	vld [tilespmem:$0x14630];
	v2 =	vadd.f32 v54, v2;
	v0 =	vadd.f32 v14, v0  }
0x18a: {  	v60 =	vld [tilespmem:$0x146A0];
	v1 =	vadd.f32 v55, v1;
	v8 =	vadd.f32 v31, v8  }
0x18b: {  	v61 =	vld [tilespmem:$0x146B0];
	v2 =	vadd.f32 v56, v2;
	v0 =	vadd.f32 v15, v0  }
0x18c: {  	v1 =	vadd.f32 v57, v1;
	v8 =	vadd.f32 v32, v8  }
0x18d: {  	v2 =	vadd.f32 v58, v2;
	v0 =	vadd.f32 v16, v0  }
0x18e: {  	v1 =	vadd.f32 v59, v1;
	v62 =	vadd.f32 v33, v8  }
0x18f: {  	v63 =	vadd.f32 v60, v2;
	[tilespmem:$0x13E80] =	vst v0  }
0x190: {  	v1 =	vadd.f32 v61, v1;
	[tilespmem:$0x13E90] =	vst v62  }
0x191: {  	[tilespmem:$0x13EA0] =	vst v63  }
0x192: {  	[tilespmem:$0x13EB0] =	vst v1  }
0x193: {  	[hbm4b:s1+s30] =	stream.linear.scatter [tilespmem:s5], [sflag:$0x6], $0x80, $0x38;
	[tilespmem:$0x147C0] =	vst v63  }
0x194: {  	_ =	swait.ge [sflag:s4], $0x80  }
0x195: {  	[sflag:s4] =	ssyncset.done $0x0  }
0x196: {  	[sflag:s4] =	ssyncadd.s32 $0xFFFFFF80  }
0x197: {  	_ =	sfence.sel $0x180000  }
0x198: {  	[bflag:$0x0] =	sbarrier.arrive $0xFFFF  }
0x199: {  	_ =	strace $0x90000047  }
0x19a: {  	s0 =	sadd.s32 $0x100000, s0;
	[bflag:$0x2] =	sbarrier.arrive $0xFFFF  }
0x19b: {  	[sflag:s0] =	ssyncadd.tile.s32 $0x1;
	_ =	shalt  }
.Lfunc_end2:
_tile_overlayer_lowered:
.L_overlay_start_2:
0x19c: {  	(tag) =	ssettag $0x2  }
0x19d: {  	s0 =	rddreg [dreg:$0x0];
	s2 =	stileid.u32  }
0x19e: {  	s1 =	rddreg [dreg:$0x1];
	p0 =	sne.s32 s2, $0x0  }
0x19f: {  	s3 =	rddreg [dreg:$0x2];
	[bflag:$0x3] =	sbarrier.arrive $0xFFFF;
	s2 =	simm.s32 @!p0 $0x1C06  }
0x1a0: {  	[timem:s3], [sflag:s2] =	dma.local @!p0 [hbm:s0], s1  }
0x1a1: {  	s0 =	simm.s32 @!p0 $0x6  }
0x1a2: {  	_ =	swait.ge @!p0 [sflag:s0], s1  }
0x1a3: {  	s1 =	ssub.s32 @!p0 $0x0, s1;
	[sflag:s0] =	ssyncset.done @!p0 $0x0  }
0x1a4: {  	[sflag:s0] =	ssyncadd.s32 @!p0 s1  }
0x1a5: {  	[bflag:$0x3] =	sbarrier.arrive $0xFFFF  }
0x1a6: {  	_ =	shalt  }

</sc_bundles>
